<compile_context>
chip_gen: v7x
topology: tpu7x:2x2x1
jax: 0.10.2.dev20260603
libtpu: 0.0.44.dev20260713+nightly
codegen_flags: <defaults>
</compile_context>

<pallas_src>
import functools

import jax
import jax.numpy as jnp
from jax import lax
from jax.experimental import pallas as pl
from jax.experimental.pallas import tpu as pltpu
from jax.experimental.pallas import tpu_sc as plsc

_NC = 2
_NS = 16
_NW = _NC * _NS
_CHUNK = 128


def _sc_gather(user_table, item_table, uid4, iid4, s):
    n_slices, _, n_chunks, _ = uid4.shape
    D = user_table.shape[1]
    b_per_w = n_chunks * _CHUNK
    Bs = b_per_w * _NW
    n_jobs = 2 * n_chunks
    NB = min(4, n_jobs)
    mesh = plsc.VectorSubcoreMesh(core_axis_name="c", subcore_axis_name="s")

    @functools.partial(
        pl.kernel,
        mesh=mesh,
        out_type=[
            jax.ShapeDtypeStruct((Bs, D), jnp.float32),
            jax.ShapeDtypeStruct((Bs, D), jnp.float32),
        ],
        scratch_types=[
            pltpu.VMEM((n_chunks, _CHUNK), jnp.int32),
            pltpu.VMEM((n_chunks, _CHUNK), jnp.int32),
        ]
        + [pltpu.VMEM((_CHUNK, D), jnp.float32) for _ in range(NB)]
        + [pltpu.SemaphoreType.DMA, pltpu.SemaphoreType.DMA],
    )
    def gather_kernel(ut, it, uid, iid, u_out, i_out, idx_u, idx_i, *rest):
        bufs, (sem_g, sem_w) = rest[:NB], rest[NB:]
        wid = lax.axis_index("s") * _NC + lax.axis_index("c")
        base = wid * b_per_w
        pltpu.sync_copy(uid.at[s].at[wid], idx_u)
        pltpu.sync_copy(iid.at[s].at[wid], idx_i)
        jobs = []
        for idxv, tab, out in ((idx_u, ut, u_out), (idx_i, it, i_out)):
            for c in range(n_chunks):
                jobs.append((idxv.at[c], tab, out, base + c * _CHUNK))
        g = [None] * n_jobs
        w = [None] * n_jobs
        for c in range(min(NB, n_jobs)):
            idxr, tab, out, off = jobs[c]
            g[c] = pltpu.async_copy(tab.at[idxr], bufs[c % NB], sem_g)
        for c in range(n_jobs):
            g[c].wait()
            _, _, out, off = jobs[c]
            w[c] = pltpu.async_copy(bufs[c % NB], out.at[pl.ds(off, _CHUNK)], sem_w)
            nxt = c + NB
            if nxt < n_jobs:
                w[c].wait()
                idxr, tab, _, _ = jobs[nxt]
                g[nxt] = pltpu.async_copy(tab.at[idxr], bufs[nxt % NB], sem_g)
        for c in range(max(0, n_jobs - NB), n_jobs):
            w[c].wait()

    return gather_kernel(user_table, item_table, uid4, iid4)


def _mlp_body(u_ref, i_ref, w1a, w1b, b1r, w2, b2r, w3c, b3r, o_ref):
    h = jnp.dot(u_ref[...], w1a[...], preferred_element_type=jnp.float32)
    h += jnp.dot(i_ref[...], w1b[...], preferred_element_type=jnp.float32)
    h = jnp.maximum(h + b1r[...], 0.0)
    h2 = jnp.dot(h, w2[...], preferred_element_type=jnp.float32)
    h2 = jnp.maximum(h2 + b2r[...], 0.0)
    o = jnp.dot(h2, w3c[...], preferred_element_type=jnp.float32) + b3r[0, 0]
    o_ref[0] = jnp.transpose(1.0 / (1.0 + jnp.exp(-o)))


def _tc_mlp(u, i, W1, b1, W2, b2, W3, b3):
    B, D = u.shape
    H1 = W1.shape[1]
    H2 = W2.shape[1]
    blk = 4096
    grid = B // blk
    w1a = W1[:D]
    w1b = W1[D:]
    b1r = b1.reshape(1, H1)
    b2r = b2.reshape(1, H2)
    b3r = b3.reshape(1, 1)

    out = pl.pallas_call(
        _mlp_body,
        grid=(grid,),
        in_specs=[
            pl.BlockSpec((blk, D), lambda g: (g, 0)),
            pl.BlockSpec((blk, D), lambda g: (g, 0)),
            pl.BlockSpec((D, H1), lambda g: (0, 0)),
            pl.BlockSpec((D, H1), lambda g: (0, 0)),
            pl.BlockSpec((1, H1), lambda g: (0, 0)),
            pl.BlockSpec((H1, H2), lambda g: (0, 0)),
            pl.BlockSpec((1, H2), lambda g: (0, 0)),
            pl.BlockSpec((H2, 1), lambda g: (0, 0)),
            pl.BlockSpec((1, 1), lambda g: (0, 0)),
        ],
        out_specs=pl.BlockSpec((1, 1, blk), lambda g: (g, 0, 0)),
        out_shape=jax.ShapeDtypeStruct((grid, 1, blk), jnp.float32),
    )(u, i, w1a, w1b, b1r, W2, b2r, W3, b3r)
    return out.reshape(B)


def kernel(user_ids, item_ids, user_table, item_table, W1, b1, W2, b2, W3, b3):
    user_ids = user_ids.astype(jnp.int32)
    item_ids = item_ids.astype(jnp.int32)
    B = user_ids.shape[0]
    S = 1
    n_chunks = B // (S * _NW * _CHUNK)
    uid4 = user_ids.reshape(S, _NW, n_chunks, _CHUNK)
    iid4 = item_ids.reshape(S, _NW, n_chunks, _CHUNK)
    outs = []
    for s in range(S):
        u_emb, i_emb = _sc_gather(user_table, item_table, uid4, iid4, s)
        outs.append(_tc_mlp(u_emb, i_emb, W1, b1, W2, b2, W3, b3))
    return jnp.concatenate(outs)

# --- scband reference (transcript-rebuilt; emitter-appended) ---
"""Pipeline reference for scband-simple-recommender-model-27539330302094 (READ-ONLY COPY).

The authoritative reference and input builder live on the scoring server;
editing this copy changes nothing except your own understanding.
"""

import jax, jax.numpy as jnp
import numpy as np

B = 16384
NUM_USERS = 100000
NUM_ITEMS = 100000
D = 128

def _xavier(k, fan_in, fan_out):
    lim = np.sqrt(6.0 / (fan_in + fan_out))
    return jax.random.uniform(k, (fan_in, fan_out), minval=-lim, maxval=lim, dtype=jnp.float32)

def setup_inputs(seed: int = 0) -> dict:
    key = jax.random.key(seed)
    ks = jax.random.split(key, 8)
    user_ids = jax.random.randint(ks[0], (B,), 0, NUM_USERS, dtype=jnp.int64 if jax.config.jax_enable_x64 else jnp.int32)
    item_ids = jax.random.randint(ks[1], (B,), 0, NUM_ITEMS, dtype=jnp.int64 if jax.config.jax_enable_x64 else jnp.int32)
    user_table = jax.random.normal(ks[2], (NUM_USERS, D), dtype=jnp.float32) * 0.1
    item_table = jax.random.normal(ks[3], (NUM_ITEMS, D), dtype=jnp.float32) * 0.1
    W1 = _xavier(ks[4], 2 * D, 128); b1 = jnp.full((128,), 0.1, dtype=jnp.float32)
    W2 = _xavier(ks[5], 128, 64);    b2 = jnp.full((64,), 0.1, dtype=jnp.float32)
    W3 = _xavier(ks[6], 64, 1);      b3 = jnp.full((1,), 0.1, dtype=jnp.float32)
    return {"user_ids": user_ids, "item_ids": item_ids,
            "user_table": user_table, "item_table": item_table,
            "W1": W1, "b1": b1, "W2": W2, "b2": b2, "W3": W3, "b3": b3}

def reference(user_ids, item_ids, user_table, item_table, W1, b1, W2, b2, W3, b3):
    # Embedding lookups (gather)
    user_emb = jnp.take(user_table, user_ids, axis=0)
    item_emb = jnp.take(item_table, item_ids, axis=0)
    features = jnp.concatenate([user_emb, item_emb], axis=-1)
    # Predictor MLP (Dropout is identity in eval mode)
    h = jax.nn.relu(features @ W1 + b1)
    h = jax.nn.relu(h @ W2 + b2)
    out = jax.nn.sigmoid(h @ W3 + b3)
    return jnp.squeeze(out, axis=-1)

if __name__ == "__main__":
    import jax
    _d = setup_inputs()
    print(jax.jit(kernel)(*tuple(_d.values())))

</pallas_src>

<mosaic_0001>
#map = affine_map<(d0, d1) -> (0, 0)>
#map1 = affine_map<(d0, d1) -> (0, 0, 0, 0)>
module attributes {stable_mosaic.version = 14 : i64} {
  func.func @gather_kernel(%arg0: i32, %arg1: i32, %arg2: memref<100000x128xf32, #tpu.memory_space<hbm>>, %arg3: memref<100000x128xf32, #tpu.memory_space<hbm>>, %arg4: memref<1x32x4x128xi32, #tpu.memory_space<hbm>>, %arg5: memref<1x32x4x128xi32, #tpu.memory_space<hbm>>, %arg6: memref<16384x128xf32, #tpu.memory_space<hbm>>, %arg7: memref<16384x128xf32, #tpu.memory_space<hbm>>, %arg8: memref<4x128xi32, #tpu.memory_space<vmem>>, %arg9: memref<4x128xi32, #tpu.memory_space<vmem>>, %arg10: memref<128x128xf32, #tpu.memory_space<vmem>>, %arg11: memref<128x128xf32, #tpu.memory_space<vmem>>, %arg12: memref<128x128xf32, #tpu.memory_space<vmem>>, %arg13: memref<128x128xf32, #tpu.memory_space<vmem>>, %arg14: memref<!tpu.dma_semaphore, #tpu.memory_space<semaphore_mem>>, %arg15: memref<!tpu.dma_semaphore, #tpu.memory_space<semaphore_mem>>) attributes {dimension_semantics = [#tpu.dimension_semantics<core_parallel>, #tpu.dimension_semantics<subcore_parallel>], iteration_bounds = array<i64: 2, 16>, scalar_prefetch = 0 : i64, scratch_operands = 8 : i64, tpu.core_type = #tpu.core_type<sc_vector_subcore>, window_params = [{transform_indices = #map}, {transform_indices = #map}, {transform_indices = #map1}, {transform_indices = #map1}, {transform_indices = #map}, {transform_indices = #map}]} {
    %mul3A = arith.constant 2 : i32
    %mul3A_0 = arith.muli %arg1, %mul3A : i32
    %add3A = arith.addi %mul3A_0, %arg0 : i32
    %mul3A_1 = arith.constant 512 : i32
    %mul3A_2 = arith.muli %add3A, %mul3A_1 : i32
    %run_scoped3A = arith.constant 0 : i32
    "tpu.region"() ({
      %run_scoped3A_194 = tpu.sem_alloc : memref<!tpu.dma_semaphore, #tpu.memory_space<semaphore_mem>>
      %dma_start3A_195 = arith.constant 0 : i32
      %dma_start3A_196 = arith.constant 0 : i32
      %dma_start3A_197 = arith.constant 0 : i32
      %dma_start3A_198 = tpu.memref_slice %arg4[%run_scoped3A, %dma_start3A_195, %dma_start3A_196, %dma_start3A_197] : memref<1x32x4x128xi32, #tpu.memory_space<hbm>> -> memref<1x32x4x128xi32, #tpu.memory_space<hbm>>
      %dma_start3A_199 = tpu.memref_squeeze %dma_start3A_198 : memref<1x32x4x128xi32, #tpu.memory_space<hbm>> -> memref<32x4x128xi32, #tpu.memory_space<hbm>>
      %dma_start3A_200 = arith.constant 0 : i32
      %dma_start3A_201 = arith.constant 0 : i32
      %dma_start3A_202 = tpu.memref_slice %dma_start3A_199[%add3A, %dma_start3A_200, %dma_start3A_201] : memref<32x4x128xi32, #tpu.memory_space<hbm>> -> memref<1x4x128xi32, #tpu.memory_space<hbm>>
      %dma_start3A_203 = tpu.memref_squeeze %dma_start3A_202 : memref<1x4x128xi32, #tpu.memory_space<hbm>> -> memref<4x128xi32, #tpu.memory_space<hbm>>
      %dma_start3A_204 = arith.constant 0 : i32
      %dma_start3A_205 = arith.constant 0 : i32
      %dma_start3A_206 = arith.constant 0 : i32
      %dma_start3A_207 = tpu.memref_slice %arg4[%run_scoped3A, %dma_start3A_204, %dma_start3A_205, %dma_start3A_206] : memref<1x32x4x128xi32, #tpu.memory_space<hbm>> -> memref<1x32x4x128xi32, #tpu.memory_space<hbm>>
      %dma_start3A_208 = tpu.memref_squeeze %dma_start3A_207 : memref<1x32x4x128xi32, #tpu.memory_space<hbm>> -> memref<32x4x128xi32, #tpu.memory_space<hbm>>
      %dma_start3A_209 = arith.constant 0 : i32
      %dma_start3A_210 = arith.constant 0 : i32
      %dma_start3A_211 = tpu.memref_slice %dma_start3A_208[%add3A, %dma_start3A_209, %dma_start3A_210] : memref<32x4x128xi32, #tpu.memory_space<hbm>> -> memref<1x4x128xi32, #tpu.memory_space<hbm>>
      %dma_start3A_212 = tpu.memref_squeeze %dma_start3A_211 : memref<1x4x128xi32, #tpu.memory_space<hbm>> -> memref<4x128xi32, #tpu.memory_space<hbm>>
      tpu.enqueue_dma source(%dma_start3A_212 : memref<4x128xi32, #tpu.memory_space<hbm>>) target(%arg8 : memref<4x128xi32, #tpu.memory_space<vmem>>) target_semaphore(%run_scoped3A_194 : memref<!tpu.dma_semaphore, #tpu.memory_space<semaphore_mem>>)
      %dma_wait3A_213 = arith.constant 0 : i32
      %dma_wait3A_214 = arith.constant 0 : i32
      %dma_wait3A_215 = arith.constant 0 : i32
      %dma_wait3A_216 = tpu.memref_slice %arg4[%run_scoped3A, %dma_wait3A_213, %dma_wait3A_214, %dma_wait3A_215] : memref<1x32x4x128xi32, #tpu.memory_space<hbm>> -> memref<1x32x4x128xi32, #tpu.memory_space<hbm>>
      %dma_wait3A_217 = tpu.memref_squeeze %dma_wait3A_216 : memref<1x32x4x128xi32, #tpu.memory_space<hbm>> -> memref<32x4x128xi32, #tpu.memory_space<hbm>>
      %dma_wait3A_218 = arith.constant 0 : i32
      %dma_wait3A_219 = arith.constant 0 : i32
      %dma_wait3A_220 = tpu.memref_slice %dma_wait3A_217[%add3A, %dma_wait3A_218, %dma_wait3A_219] : memref<32x4x128xi32, #tpu.memory_space<hbm>> -> memref<1x4x128xi32, #tpu.memory_space<hbm>>
      %dma_wait3A_221 = tpu.memref_squeeze %dma_wait3A_220 : memref<1x4x128xi32, #tpu.memory_space<hbm>> -> memref<4x128xi32, #tpu.memory_space<hbm>>
      %dma_wait3A_222 = arith.constant 0 : i32
      %dma_wait3A_223 = arith.constant 0 : i32
      %dma_wait3A_224 = arith.constant 0 : i32
      %dma_wait3A_225 = tpu.memref_slice %arg4[%run_scoped3A, %dma_wait3A_222, %dma_wait3A_223, %dma_wait3A_224] : memref<1x32x4x128xi32, #tpu.memory_space<hbm>> -> memref<1x32x4x128xi32, #tpu.memory_space<hbm>>
      %dma_wait3A_226 = tpu.memref_squeeze %dma_wait3A_225 : memref<1x32x4x128xi32, #tpu.memory_space<hbm>> -> memref<32x4x128xi32, #tpu.memory_space<hbm>>
      %dma_wait3A_227 = arith.constant 0 : i32
      %dma_wait3A_228 = arith.constant 0 : i32
      %dma_wait3A_229 = tpu.memref_slice %dma_wait3A_226[%add3A, %dma_wait3A_227, %dma_wait3A_228] : memref<32x4x128xi32, #tpu.memory_space<hbm>> -> memref<1x4x128xi32, #tpu.memory_space<hbm>>
      %dma_wait3A_230 = tpu.memref_squeeze %dma_wait3A_229 : memref<1x4x128xi32, #tpu.memory_space<hbm>> -> memref<4x128xi32, #tpu.memory_space<hbm>>
      tpu.wait_dma2 semaphore(%run_scoped3A_194 : memref<!tpu.dma_semaphore, #tpu.memory_space<semaphore_mem>>) src(%dma_wait3A_230 : memref<4x128xi32, #tpu.memory_space<hbm>>) dst(%arg8 : memref<4x128xi32, #tpu.memory_space<vmem>>)
      tpu.yield
    }) : () -> ()
    %run_scoped3A_3 = arith.constant 0 : i32
    "tpu.region"() ({
      %run_scoped3A_194 = tpu.sem_alloc : memref<!tpu.dma_semaphore, #tpu.memory_space<semaphore_mem>>
      %dma_start3A_195 = arith.constant 0 : i32
      %dma_start3A_196 = arith.constant 0 : i32
      %dma_start3A_197 = arith.constant 0 : i32
      %dma_start3A_198 = tpu.memref_slice %arg5[%run_scoped3A_3, %dma_start3A_195, %dma_start3A_196, %dma_start3A_197] : memref<1x32x4x128xi32, #tpu.memory_space<hbm>> -> memref<1x32x4x128xi32, #tpu.memory_space<hbm>>
      %dma_start3A_199 = tpu.memref_squeeze %dma_start3A_198 : memref<1x32x4x128xi32, #tpu.memory_space<hbm>> -> memref<32x4x128xi32, #tpu.memory_space<hbm>>
      %dma_start3A_200 = arith.constant 0 : i32
      %dma_start3A_201 = arith.constant 0 : i32
      %dma_start3A_202 = tpu.memref_slice %dma_start3A_199[%add3A, %dma_start3A_200, %dma_start3A_201] : memref<32x4x128xi32, #tpu.memory_space<hbm>> -> memref<1x4x128xi32, #tpu.memory_space<hbm>>
      %dma_start3A_203 = tpu.memref_squeeze %dma_start3A_202 : memref<1x4x128xi32, #tpu.memory_space<hbm>> -> memref<4x128xi32, #tpu.memory_space<hbm>>
      %dma_start3A_204 = arith.constant 0 : i32
      %dma_start3A_205 = arith.constant 0 : i32
      %dma_start3A_206 = arith.constant 0 : i32
      %dma_start3A_207 = tpu.memref_slice %arg5[%run_scoped3A_3, %dma_start3A_204, %dma_start3A_205, %dma_start3A_206] : memref<1x32x4x128xi32, #tpu.memory_space<hbm>> -> memref<1x32x4x128xi32, #tpu.memory_space<hbm>>
      %dma_start3A_208 = tpu.memref_squeeze %dma_start3A_207 : memref<1x32x4x128xi32, #tpu.memory_space<hbm>> -> memref<32x4x128xi32, #tpu.memory_space<hbm>>
      %dma_start3A_209 = arith.constant 0 : i32
      %dma_start3A_210 = arith.constant 0 : i32
      %dma_start3A_211 = tpu.memref_slice %dma_start3A_208[%add3A, %dma_start3A_209, %dma_start3A_210] : memref<32x4x128xi32, #tpu.memory_space<hbm>> -> memref<1x4x128xi32, #tpu.memory_space<hbm>>
      %dma_start3A_212 = tpu.memref_squeeze %dma_start3A_211 : memref<1x4x128xi32, #tpu.memory_space<hbm>> -> memref<4x128xi32, #tpu.memory_space<hbm>>
      tpu.enqueue_dma source(%dma_start3A_212 : memref<4x128xi32, #tpu.memory_space<hbm>>) target(%arg9 : memref<4x128xi32, #tpu.memory_space<vmem>>) target_semaphore(%run_scoped3A_194 : memref<!tpu.dma_semaphore, #tpu.memory_space<semaphore_mem>>)
      %dma_wait3A_213 = arith.constant 0 : i32
      %dma_wait3A_214 = arith.constant 0 : i32
      %dma_wait3A_215 = arith.constant 0 : i32
      %dma_wait3A_216 = tpu.memref_slice %arg5[%run_scoped3A_3, %dma_wait3A_213, %dma_wait3A_214, %dma_wait3A_215] : memref<1x32x4x128xi32, #tpu.memory_space<hbm>> -> memref<1x32x4x128xi32, #tpu.memory_space<hbm>>
      %dma_wait3A_217 = tpu.memref_squeeze %dma_wait3A_216 : memref<1x32x4x128xi32, #tpu.memory_space<hbm>> -> memref<32x4x128xi32, #tpu.memory_space<hbm>>
      %dma_wait3A_218 = arith.constant 0 : i32
      %dma_wait3A_219 = arith.constant 0 : i32
      %dma_wait3A_220 = tpu.memref_slice %dma_wait3A_217[%add3A, %dma_wait3A_218, %dma_wait3A_219] : memref<32x4x128xi32, #tpu.memory_space<hbm>> -> memref<1x4x128xi32, #tpu.memory_space<hbm>>
      %dma_wait3A_221 = tpu.memref_squeeze %dma_wait3A_220 : memref<1x4x128xi32, #tpu.memory_space<hbm>> -> memref<4x128xi32, #tpu.memory_space<hbm>>
      %dma_wait3A_222 = arith.constant 0 : i32
      %dma_wait3A_223 = arith.constant 0 : i32
      %dma_wait3A_224 = arith.constant 0 : i32
      %dma_wait3A_225 = tpu.memref_slice %arg5[%run_scoped3A_3, %dma_wait3A_222, %dma_wait3A_223, %dma_wait3A_224] : memref<1x32x4x128xi32, #tpu.memory_space<hbm>> -> memref<1x32x4x128xi32, #tpu.memory_space<hbm>>
      %dma_wait3A_226 = tpu.memref_squeeze %dma_wait3A_225 : memref<1x32x4x128xi32, #tpu.memory_space<hbm>> -> memref<32x4x128xi32, #tpu.memory_space<hbm>>
      %dma_wait3A_227 = arith.constant 0 : i32
      %dma_wait3A_228 = arith.constant 0 : i32
      %dma_wait3A_229 = tpu.memref_slice %dma_wait3A_226[%add3A, %dma_wait3A_227, %dma_wait3A_228] : memref<32x4x128xi32, #tpu.memory_space<hbm>> -> memref<1x4x128xi32, #tpu.memory_space<hbm>>
      %dma_wait3A_230 = tpu.memref_squeeze %dma_wait3A_229 : memref<1x4x128xi32, #tpu.memory_space<hbm>> -> memref<4x128xi32, #tpu.memory_space<hbm>>
      tpu.wait_dma2 semaphore(%run_scoped3A_194 : memref<!tpu.dma_semaphore, #tpu.memory_space<semaphore_mem>>) src(%dma_wait3A_230 : memref<4x128xi32, #tpu.memory_space<hbm>>) dst(%arg9 : memref<4x128xi32, #tpu.memory_space<vmem>>)
      tpu.yield
    }) : () -> ()
    %add3A_4 = arith.constant 0 : i32
    %add3A_5 = arith.addi %mul3A_2, %add3A_4 : i32
    %add3A_6 = arith.constant 128 : i32
    %add3A_7 = arith.addi %mul3A_2, %add3A_6 : i32
    %add3A_8 = arith.constant 256 : i32
    %add3A_9 = arith.addi %mul3A_2, %add3A_8 : i32
    %add3A_10 = arith.constant 384 : i32
    %add3A_11 = arith.addi %mul3A_2, %add3A_10 : i32
    %add3A_12 = arith.constant 0 : i32
    %add3A_13 = arith.addi %mul3A_2, %add3A_12 : i32
    %add3A_14 = arith.constant 128 : i32
    %add3A_15 = arith.addi %mul3A_2, %add3A_14 : i32
    %add3A_16 = arith.constant 256 : i32
    %add3A_17 = arith.addi %mul3A_2, %add3A_16 : i32
    %add3A_18 = arith.constant 384 : i32
    %add3A_19 = arith.addi %mul3A_2, %add3A_18 : i32
    %dma_start3A = arith.constant 0 : i32
    %dma_start3A_20 = arith.constant 0 : i32
    %dma_start3A_21 = tpu.memref_slice %arg8[%dma_start3A, %dma_start3A_20] : memref<4x128xi32, #tpu.memory_space<vmem>> -> memref<1x128xi32, #tpu.memory_space<vmem>>
    %dma_start3A_22 = tpu.memref_squeeze %dma_start3A_21 : memref<1x128xi32, #tpu.memory_space<vmem>> -> memref<128xi32, #tpu.memory_space<vmem>>
    %dma_start3A_23 = arith.constant 0 : i32
    %dma_start3A_24 = arith.constant 0 : i32
    %dma_start3A_25 = tpu.memref_slice %arg2[%dma_start3A_23, %dma_start3A_24] : memref<100000x128xf32, #tpu.memory_space<hbm>> -> memref<100000x128xf32, #tpu.memory_space<hbm>>
    tpu.enqueue_indirect_dma source(%dma_start3A_25 : memref<100000x128xf32, #tpu.memory_space<hbm>>) target(%arg10 : memref<128x128xf32, #tpu.memory_space<vmem>>) offsets(%dma_start3A_22 : memref<128xi32, #tpu.memory_space<vmem>>) semaphore(%arg14 : memref<!tpu.dma_semaphore, #tpu.memory_space<semaphore_mem>>)
    %dma_start3A_26 = arith.constant 1 : i32
    %dma_start3A_27 = arith.constant 0 : i32
    %dma_start3A_28 = tpu.memref_slice %arg8[%dma_start3A_26, %dma_start3A_27] : memref<4x128xi32, #tpu.memory_space<vmem>> -> memref<1x128xi32, #tpu.memory_space<vmem>>
    %dma_start3A_29 = tpu.memref_squeeze %dma_start3A_28 : memref<1x128xi32, #tpu.memory_space<vmem>> -> memref<128xi32, #tpu.memory_space<vmem>>
    %dma_start3A_30 = arith.constant 0 : i32
    %dma_start3A_31 = arith.constant 0 : i32
    %dma_start3A_32 = tpu.memref_slice %arg2[%dma_start3A_30, %dma_start3A_31] : memref<100000x128xf32, #tpu.memory_space<hbm>> -> memref<100000x128xf32, #tpu.memory_space<hbm>>
    tpu.enqueue_indirect_dma source(%dma_start3A_32 : memref<100000x128xf32, #tpu.memory_space<hbm>>) target(%arg11 : memref<128x128xf32, #tpu.memory_space<vmem>>) offsets(%dma_start3A_29 : memref<128xi32, #tpu.memory_space<vmem>>) semaphore(%arg14 : memref<!tpu.dma_semaphore, #tpu.memory_space<semaphore_mem>>)
    %dma_start3A_33 = arith.constant 2 : i32
    %dma_start3A_34 = arith.constant 0 : i32
    %dma_start3A_35 = tpu.memref_slice %arg8[%dma_start3A_33, %dma_start3A_34] : memref<4x128xi32, #tpu.memory_space<vmem>> -> memref<1x128xi32, #tpu.memory_space<vmem>>
    %dma_start3A_36 = tpu.memref_squeeze %dma_start3A_35 : memref<1x128xi32, #tpu.memory_space<vmem>> -> memref<128xi32, #tpu.memory_space<vmem>>
    %dma_start3A_37 = arith.constant 0 : i32
    %dma_start3A_38 = arith.constant 0 : i32
    %dma_start3A_39 = tpu.memref_slice %arg2[%dma_start3A_37, %dma_start3A_38] : memref<100000x128xf32, #tpu.memory_space<hbm>> -> memref<100000x128xf32, #tpu.memory_space<hbm>>
    tpu.enqueue_indirect_dma source(%dma_start3A_39 : memref<100000x128xf32, #tpu.memory_space<hbm>>) target(%arg12 : memref<128x128xf32, #tpu.memory_space<vmem>>) offsets(%dma_start3A_36 : memref<128xi32, #tpu.memory_space<vmem>>) semaphore(%arg14 : memref<!tpu.dma_semaphore, #tpu.memory_space<semaphore_mem>>)
    %dma_start3A_40 = arith.constant 3 : i32
    %dma_start3A_41 = arith.constant 0 : i32
    %dma_start3A_42 = tpu.memref_slice %arg8[%dma_start3A_40, %dma_start3A_41] : memref<4x128xi32, #tpu.memory_space<vmem>> -> memref<1x128xi32, #tpu.memory_space<vmem>>
    %dma_start3A_43 = tpu.memref_squeeze %dma_start3A_42 : memref<1x128xi32, #tpu.memory_space<vmem>> -> memref<128xi32, #tpu.memory_space<vmem>>
    %dma_start3A_44 = arith.constant 0 : i32
    %dma_start3A_45 = arith.constant 0 : i32
    %dma_start3A_46 = tpu.memref_slice %arg2[%dma_start3A_44, %dma_start3A_45] : memref<100000x128xf32, #tpu.memory_space<hbm>> -> memref<100000x128xf32, #tpu.memory_space<hbm>>
    tpu.enqueue_indirect_dma source(%dma_start3A_46 : memref<100000x128xf32, #tpu.memory_space<hbm>>) target(%arg13 : memref<128x128xf32, #tpu.memory_space<vmem>>) offsets(%dma_start3A_43 : memref<128xi32, #tpu.memory_space<vmem>>) semaphore(%arg14 : memref<!tpu.dma_semaphore, #tpu.memory_space<semaphore_mem>>)
    %dma_wait3A = arith.constant 0 : i32
    %dma_wait3A_47 = arith.constant 0 : i32
    %dma_wait3A_48 = tpu.memref_slice %arg8[%dma_wait3A, %dma_wait3A_47] : memref<4x128xi32, #tpu.memory_space<vmem>> -> memref<1x128xi32, #tpu.memory_space<vmem>>
    %dma_wait3A_49 = tpu.memref_squeeze %dma_wait3A_48 : memref<1x128xi32, #tpu.memory_space<vmem>> -> memref<128xi32, #tpu.memory_space<vmem>>
    %dma_wait3A_50 = arith.constant 0 : i32
    %dma_wait3A_51 = arith.constant 0 : i32
    %dma_wait3A_52 = tpu.memref_slice %arg2[%dma_wait3A_50, %dma_wait3A_51] : memref<100000x128xf32, #tpu.memory_space<hbm>> -> memref<100000x128xf32, #tpu.memory_space<hbm>>
    tpu.wait_indirect_dma semaphore(%arg14 : memref<!tpu.dma_semaphore, #tpu.memory_space<semaphore_mem>>) src(%dma_wait3A_52 : memref<100000x128xf32, #tpu.memory_space<hbm>>) dst(%arg10 : memref<128x128xf32, #tpu.memory_space<vmem>>)
    %dma_start3A_53 = arith.constant 0 : i32
    %dma_start3A_54 = tpu.memref_slice %arg6[%add3A_5, %dma_start3A_53] : memref<16384x128xf32, #tpu.memory_space<hbm>> -> memref<128x128xf32, #tpu.memory_space<hbm>>
    %dma_start3A_55 = arith.constant 0 : i32
    %dma_start3A_56 = tpu.memref_slice %arg6[%add3A_5, %dma_start3A_55] : memref<16384x128xf32, #tpu.memory_space<hbm>> -> memref<128x128xf32, #tpu.memory_space<hbm>>
    tpu.enqueue_dma source(%arg10 : memref<128x128xf32, #tpu.memory_space<vmem>>) target(%dma_start3A_56 : memref<128x128xf32, #tpu.memory_space<hbm>>) target_semaphore(%arg15 : memref<!tpu.dma_semaphore, #tpu.memory_space<semaphore_mem>>)
    %dma_wait3A_57 = arith.constant 0 : i32
    %dma_wait3A_58 = tpu.memref_slice %arg6[%add3A_5, %dma_wait3A_57] : memref<16384x128xf32, #tpu.memory_space<hbm>> -> memref<128x128xf32, #tpu.memory_space<hbm>>
    %dma_wait3A_59 = arith.constant 0 : i32
    %dma_wait3A_60 = tpu.memref_slice %arg6[%add3A_5, %dma_wait3A_59] : memref<16384x128xf32, #tpu.memory_space<hbm>> -> memref<128x128xf32, #tpu.memory_space<hbm>>
    tpu.wait_dma2 semaphore(%arg15 : memref<!tpu.dma_semaphore, #tpu.memory_space<semaphore_mem>>) src(%arg10 : memref<128x128xf32, #tpu.memory_space<vmem>>) dst(%dma_wait3A_60 : memref<128x128xf32, #tpu.memory_space<hbm>>)
    %dma_start3A_61 = arith.constant 0 : i32
    %dma_start3A_62 = arith.constant 0 : i32
    %dma_start3A_63 = tpu.memref_slice %arg9[%dma_start3A_61, %dma_start3A_62] : memref<4x128xi32, #tpu.memory_space<vmem>> -> memref<1x128xi32, #tpu.memory_space<vmem>>
    %dma_start3A_64 = tpu.memref_squeeze %dma_start3A_63 : memref<1x128xi32, #tpu.memory_space<vmem>> -> memref<128xi32, #tpu.memory_space<vmem>>
    %dma_start3A_65 = arith.constant 0 : i32
    %dma_start3A_66 = arith.constant 0 : i32
    %dma_start3A_67 = tpu.memref_slice %arg3[%dma_start3A_65, %dma_start3A_66] : memref<100000x128xf32, #tpu.memory_space<hbm>> -> memref<100000x128xf32, #tpu.memory_space<hbm>>
    tpu.enqueue_indirect_dma source(%dma_start3A_67 : memref<100000x128xf32, #tpu.memory_space<hbm>>) target(%arg10 : memref<128x128xf32, #tpu.memory_space<vmem>>) offsets(%dma_start3A_64 : memref<128xi32, #tpu.memory_space<vmem>>) semaphore(%arg14 : memref<!tpu.dma_semaphore, #tpu.memory_space<semaphore_mem>>)
    %dma_wait3A_68 = arith.constant 1 : i32
    %dma_wait3A_69 = arith.constant 0 : i32
    %dma_wait3A_70 = tpu.memref_slice %arg8[%dma_wait3A_68, %dma_wait3A_69] : memref<4x128xi32, #tpu.memory_space<vmem>> -> memref<1x128xi32, #tpu.memory_space<vmem>>
    %dma_wait3A_71 = tpu.memref_squeeze %dma_wait3A_70 : memref<1x128xi32, #tpu.memory_space<vmem>> -> memref<128xi32, #tpu.memory_space<vmem>>
    %dma_wait3A_72 = arith.constant 0 : i32
    %dma_wait3A_73 = arith.constant 0 : i32
    %dma_wait3A_74 = tpu.memref_slice %arg2[%dma_wait3A_72, %dma_wait3A_73] : memref<100000x128xf32, #tpu.memory_space<hbm>> -> memref<100000x128xf32, #tpu.memory_space<hbm>>
    tpu.wait_indirect_dma semaphore(%arg14 : memref<!tpu.dma_semaphore, #tpu.memory_space<semaphore_mem>>) src(%dma_wait3A_74 : memref<100000x128xf32, #tpu.memory_space<hbm>>) dst(%arg11 : memref<128x128xf32, #tpu.memory_space<vmem>>)
    %dma_start3A_75 = arith.constant 0 : i32
    %dma_start3A_76 = tpu.memref_slice %arg6[%add3A_7, %dma_start3A_75] : memref<16384x128xf32, #tpu.memory_space<hbm>> -> memref<128x128xf32, #tpu.memory_space<hbm>>
    %dma_start3A_77 = arith.constant 0 : i32
    %dma_start3A_78 = tpu.memref_slice %arg6[%add3A_7, %dma_start3A_77] : memref<16384x128xf32, #tpu.memory_space<hbm>> -> memref<128x128xf32, #tpu.memory_space<hbm>>
    tpu.enqueue_dma source(%arg11 : memref<128x128xf32, #tpu.memory_space<vmem>>) target(%dma_start3A_78 : memref<128x128xf32, #tpu.memory_space<hbm>>) target_semaphore(%arg15 : memref<!tpu.dma_semaphore, #tpu.memory_space<semaphore_mem>>)
    %dma_wait3A_79 = arith.constant 0 : i32
    %dma_wait3A_80 = tpu.memref_slice %arg6[%add3A_7, %dma_wait3A_79] : memref<16384x128xf32, #tpu.memory_space<hbm>> -> memref<128x128xf32, #tpu.memory_space<hbm>>
    %dma_wait3A_81 = arith.constant 0 : i32
    %dma_wait3A_82 = tpu.memref_slice %arg6[%add3A_7, %dma_wait3A_81] : memref<16384x128xf32, #tpu.memory_space<hbm>> -> memref<128x128xf32, #tpu.memory_space<hbm>>
    tpu.wait_dma2 semaphore(%arg15 : memref<!tpu.dma_semaphore, #tpu.memory_space<semaphore_mem>>) src(%arg11 : memref<128x128xf32, #tpu.memory_space<vmem>>) dst(%dma_wait3A_82 : memref<128x128xf32, #tpu.memory_space<hbm>>)
    %dma_start3A_83 = arith.constant 1 : i32
    %dma_start3A_84 = arith.constant 0 : i32
    %dma_start3A_85 = tpu.memref_slice %arg9[%dma_start3A_83, %dma_start3A_84] : memref<4x128xi32, #tpu.memory_space<vmem>> -> memref<1x128xi32, #tpu.memory_space<vmem>>
    %dma_start3A_86 = tpu.memref_squeeze %dma_start3A_85 : memref<1x128xi32, #tpu.memory_space<vmem>> -> memref<128xi32, #tpu.memory_space<vmem>>
    %dma_start3A_87 = arith.constant 0 : i32
    %dma_start3A_88 = arith.constant 0 : i32
    %dma_start3A_89 = tpu.memref_slice %arg3[%dma_start3A_87, %dma_start3A_88] : memref<100000x128xf32, #tpu.memory_space<hbm>> -> memref<100000x128xf32, #tpu.memory_space<hbm>>
    tpu.enqueue_indirect_dma source(%dma_start3A_89 : memref<100000x128xf32, #tpu.memory_space<hbm>>) target(%arg11 : memref<128x128xf32, #tpu.memory_space<vmem>>) offsets(%dma_start3A_86 : memref<128xi32, #tpu.memory_space<vmem>>) semaphore(%arg14 : memref<!tpu.dma_semaphore, #tpu.memory_space<semaphore_mem>>)
    %dma_wait3A_90 = arith.constant 2 : i32
    %dma_wait3A_91 = arith.constant 0 : i32
    %dma_wait3A_92 = tpu.memref_slice %arg8[%dma_wait3A_90, %dma_wait3A_91] : memref<4x128xi32, #tpu.memory_space<vmem>> -> memref<1x128xi32, #tpu.memory_space<vmem>>
    %dma_wait3A_93 = tpu.memref_squeeze %dma_wait3A_92 : memref<1x128xi32, #tpu.memory_space<vmem>> -> memref<128xi32, #tpu.memory_space<vmem>>
    %dma_wait3A_94 = arith.constant 0 : i32
    %dma_wait3A_95 = arith.constant 0 : i32
    %dma_wait3A_96 = tpu.memref_slice %arg2[%dma_wait3A_94, %dma_wait3A_95] : memref<100000x128xf32, #tpu.memory_space<hbm>> -> memref<100000x128xf32, #tpu.memory_space<hbm>>
    tpu.wait_indirect_dma semaphore(%arg14 : memref<!tpu.dma_semaphore, #tpu.memory_space<semaphore_mem>>) src(%dma_wait3A_96 : memref<100000x128xf32, #tpu.memory_space<hbm>>) dst(%arg12 : memref<128x128xf32, #tpu.memory_space<vmem>>)
    %dma_start3A_97 = arith.constant 0 : i32
    %dma_start3A_98 = tpu.memref_slice %arg6[%add3A_9, %dma_start3A_97] : memref<16384x128xf32, #tpu.memory_space<hbm>> -> memref<128x128xf32, #tpu.memory_space<hbm>>
    %dma_start3A_99 = arith.constant 0 : i32
    %dma_start3A_100 = tpu.memref_slice %arg6[%add3A_9, %dma_start3A_99] : memref<16384x128xf32, #tpu.memory_space<hbm>> -> memref<128x128xf32, #tpu.memory_space<hbm>>
    tpu.enqueue_dma source(%arg12 : memref<128x128xf32, #tpu.memory_space<vmem>>) target(%dma_start3A_100 : memref<128x128xf32, #tpu.memory_space<hbm>>) target_semaphore(%arg15 : memref<!tpu.dma_semaphore, #tpu.memory_space<semaphore_mem>>)
    %dma_wait3A_101 = arith.constant 0 : i32
    %dma_wait3A_102 = tpu.memref_slice %arg6[%add3A_9, %dma_wait3A_101] : memref<16384x128xf32, #tpu.memory_space<hbm>> -> memref<128x128xf32, #tpu.memory_space<hbm>>
    %dma_wait3A_103 = arith.constant 0 : i32
    %dma_wait3A_104 = tpu.memref_slice %arg6[%add3A_9, %dma_wait3A_103] : memref<16384x128xf32, #tpu.memory_space<hbm>> -> memref<128x128xf32, #tpu.memory_space<hbm>>
    tpu.wait_dma2 semaphore(%arg15 : memref<!tpu.dma_semaphore, #tpu.memory_space<semaphore_mem>>) src(%arg12 : memref<128x128xf32, #tpu.memory_space<vmem>>) dst(%dma_wait3A_104 : memref<128x128xf32, #tpu.memory_space<hbm>>)
    %dma_start3A_105 = arith.constant 2 : i32
    %dma_start3A_106 = arith.constant 0 : i32
    %dma_start3A_107 = tpu.memref_slice %arg9[%dma_start3A_105, %dma_start3A_106] : memref<4x128xi32, #tpu.memory_space<vmem>> -> memref<1x128xi32, #tpu.memory_space<vmem>>
    %dma_start3A_108 = tpu.memref_squeeze %dma_start3A_107 : memref<1x128xi32, #tpu.memory_space<vmem>> -> memref<128xi32, #tpu.memory_space<vmem>>
    %dma_start3A_109 = arith.constant 0 : i32
    %dma_start3A_110 = arith.constant 0 : i32
    %dma_start3A_111 = tpu.memref_slice %arg3[%dma_start3A_109, %dma_start3A_110] : memref<100000x128xf32, #tpu.memory_space<hbm>> -> memref<100000x128xf32, #tpu.memory_space<hbm>>
    tpu.enqueue_indirect_dma source(%dma_start3A_111 : memref<100000x128xf32, #tpu.memory_space<hbm>>) target(%arg12 : memref<128x128xf32, #tpu.memory_space<vmem>>) offsets(%dma_start3A_108 : memref<128xi32, #tpu.memory_space<vmem>>) semaphore(%arg14 : memref<!tpu.dma_semaphore, #tpu.memory_space<semaphore_mem>>)
    %dma_wait3A_112 = arith.constant 3 : i32
    %dma_wait3A_113 = arith.constant 0 : i32
    %dma_wait3A_114 = tpu.memref_slice %arg8[%dma_wait3A_112, %dma_wait3A_113] : memref<4x128xi32, #tpu.memory_space<vmem>> -> memref<1x128xi32, #tpu.memory_space<vmem>>
    %dma_wait3A_115 = tpu.memref_squeeze %dma_wait3A_114 : memref<1x128xi32, #tpu.memory_space<vmem>> -> memref<128xi32, #tpu.memory_space<vmem>>
    %dma_wait3A_116 = arith.constant 0 : i32
    %dma_wait3A_117 = arith.constant 0 : i32
    %dma_wait3A_118 = tpu.memref_slice %arg2[%dma_wait3A_116, %dma_wait3A_117] : memref<100000x128xf32, #tpu.memory_space<hbm>> -> memref<100000x128xf32, #tpu.memory_space<hbm>>
    tpu.wait_indirect_dma semaphore(%arg14 : memref<!tpu.dma_semaphore, #tpu.memory_space<semaphore_mem>>) src(%dma_wait3A_118 : memref<100000x128xf32, #tpu.memory_space<hbm>>) dst(%arg13 : memref<128x128xf32, #tpu.memory_space<vmem>>)
    %dma_start3A_119 = arith.constant 0 : i32
    %dma_start3A_120 = tpu.memref_slice %arg6[%add3A_11, %dma_start3A_119] : memref<16384x128xf32, #tpu.memory_space<hbm>> -> memref<128x128xf32, #tpu.memory_space<hbm>>
    %dma_start3A_121 = arith.constant 0 : i32
    %dma_start3A_122 = tpu.memref_slice %arg6[%add3A_11, %dma_start3A_121] : memref<16384x128xf32, #tpu.memory_space<hbm>> -> memref<128x128xf32, #tpu.memory_space<hbm>>
    tpu.enqueue_dma source(%arg13 : memref<128x128xf32, #tpu.memory_space<vmem>>) target(%dma_start3A_122 : memref<128x128xf32, #tpu.memory_space<hbm>>) target_semaphore(%arg15 : memref<!tpu.dma_semaphore, #tpu.memory_space<semaphore_mem>>)
    %dma_wait3A_123 = arith.constant 0 : i32
    %dma_wait3A_124 = tpu.memref_slice %arg6[%add3A_11, %dma_wait3A_123] : memref<16384x128xf32, #tpu.memory_space<hbm>> -> memref<128x128xf32, #tpu.memory_space<hbm>>
    %dma_wait3A_125 = arith.constant 0 : i32
    %dma_wait3A_126 = tpu.memref_slice %arg6[%add3A_11, %dma_wait3A_125] : memref<16384x128xf32, #tpu.memory_space<hbm>> -> memref<128x128xf32, #tpu.memory_space<hbm>>
    tpu.wait_dma2 semaphore(%arg15 : memref<!tpu.dma_semaphore, #tpu.memory_space<semaphore_mem>>) src(%arg13 : memref<128x128xf32, #tpu.memory_space<vmem>>) dst(%dma_wait3A_126 : memref<128x128xf32, #tpu.memory_space<hbm>>)
    %dma_start3A_127 = arith.constant 3 : i32
    %dma_start3A_128 = arith.constant 0 : i32
    %dma_start3A_129 = tpu.memref_slice %arg9[%dma_start3A_127, %dma_start3A_128] : memref<4x128xi32, #tpu.memory_space<vmem>> -> memref<1x128xi32, #tpu.memory_space<vmem>>
    %dma_start3A_130 = tpu.memref_squeeze %dma_start3A_129 : memref<1x128xi32, #tpu.memory_space<vmem>> -> memref<128xi32, #tpu.memory_space<vmem>>
    %dma_start3A_131 = arith.constant 0 : i32
    %dma_start3A_132 = arith.constant 0 : i32
    %dma_start3A_133 = tpu.memref_slice %arg3[%dma_start3A_131, %dma_start3A_132] : memref<100000x128xf32, #tpu.memory_space<hbm>> -> memref<100000x128xf32, #tpu.memory_space<hbm>>
    tpu.enqueue_indirect_dma source(%dma_start3A_133 : memref<100000x128xf32, #tpu.memory_space<hbm>>) target(%arg13 : memref<128x128xf32, #tpu.memory_space<vmem>>) offsets(%dma_start3A_130 : memref<128xi32, #tpu.memory_space<vmem>>) semaphore(%arg14 : memref<!tpu.dma_semaphore, #tpu.memory_space<semaphore_mem>>)
    %dma_wait3A_134 = arith.constant 0 : i32
    %dma_wait3A_135 = arith.constant 0 : i32
    %dma_wait3A_136 = tpu.memref_slice %arg9[%dma_wait3A_134, %dma_wait3A_135] : memref<4x128xi32, #tpu.memory_space<vmem>> -> memref<1x128xi32, #tpu.memory_space<vmem>>
    %dma_wait3A_137 = tpu.memref_squeeze %dma_wait3A_136 : memref<1x128xi32, #tpu.memory_space<vmem>> -> memref<128xi32, #tpu.memory_space<vmem>>
    %dma_wait3A_138 = arith.constant 0 : i32
    %dma_wait3A_139 = arith.constant 0 : i32
    %dma_wait3A_140 = tpu.memref_slice %arg3[%dma_wait3A_138, %dma_wait3A_139] : memref<100000x128xf32, #tpu.memory_space<hbm>> -> memref<100000x128xf32, #tpu.memory_space<hbm>>
    tpu.wait_indirect_dma semaphore(%arg14 : memref<!tpu.dma_semaphore, #tpu.memory_space<semaphore_mem>>) src(%dma_wait3A_140 : memref<100000x128xf32, #tpu.memory_space<hbm>>) dst(%arg10 : memref<128x128xf32, #tpu.memory_space<vmem>>)
    %dma_start3A_141 = arith.constant 0 : i32
    %dma_start3A_142 = tpu.memref_slice %arg7[%add3A_13, %dma_start3A_141] : memref<16384x128xf32, #tpu.memory_space<hbm>> -> memref<128x128xf32, #tpu.memory_space<hbm>>
    %dma_start3A_143 = arith.constant 0 : i32
    %dma_start3A_144 = tpu.memref_slice %arg7[%add3A_13, %dma_start3A_143] : memref<16384x128xf32, #tpu.memory_space<hbm>> -> memref<128x128xf32, #tpu.memory_space<hbm>>
    tpu.enqueue_dma source(%arg10 : memref<128x128xf32, #tpu.memory_space<vmem>>) target(%dma_start3A_144 : memref<128x128xf32, #tpu.memory_space<hbm>>) target_semaphore(%arg15 : memref<!tpu.dma_semaphore, #tpu.memory_space<semaphore_mem>>)
    %dma_wait3A_145 = arith.constant 1 : i32
    %dma_wait3A_146 = arith.constant 0 : i32
    %dma_wait3A_147 = tpu.memref_slice %arg9[%dma_wait3A_145, %dma_wait3A_146] : memref<4x128xi32, #tpu.memory_space<vmem>> -> memref<1x128xi32, #tpu.memory_space<vmem>>
    %dma_wait3A_148 = tpu.memref_squeeze %dma_wait3A_147 : memref<1x128xi32, #tpu.memory_space<vmem>> -> memref<128xi32, #tpu.memory_space<vmem>>
    %dma_wait3A_149 = arith.constant 0 : i32
    %dma_wait3A_150 = arith.constant 0 : i32
    %dma_wait3A_151 = tpu.memref_slice %arg3[%dma_wait3A_149, %dma_wait3A_150] : memref<100000x128xf32, #tpu.memory_space<hbm>> -> memref<100000x128xf32, #tpu.memory_space<hbm>>
    tpu.wait_indirect_dma semaphore(%arg14 : memref<!tpu.dma_semaphore, #tpu.memory_space<semaphore_mem>>) src(%dma_wait3A_151 : memref<100000x128xf32, #tpu.memory_space<hbm>>) dst(%arg11 : memref<128x128xf32, #tpu.memory_space<vmem>>)
    %dma_start3A_152 = arith.constant 0 : i32
    %dma_start3A_153 = tpu.memref_slice %arg7[%add3A_15, %dma_start3A_152] : memref<16384x128xf32, #tpu.memory_space<hbm>> -> memref<128x128xf32, #tpu.memory_space<hbm>>
    %dma_start3A_154 = arith.constant 0 : i32
    %dma_start3A_155 = tpu.memref_slice %arg7[%add3A_15, %dma_start3A_154] : memref<16384x128xf32, #tpu.memory_space<hbm>> -> memref<128x128xf32, #tpu.memory_space<hbm>>
    tpu.enqueue_dma source(%arg11 : memref<128x128xf32, #tpu.memory_space<vmem>>) target(%dma_start3A_155 : memref<128x128xf32, #tpu.memory_space<hbm>>) target_semaphore(%arg15 : memref<!tpu.dma_semaphore, #tpu.memory_space<semaphore_mem>>)
    %dma_wait3A_156 = arith.constant 2 : i32
    %dma_wait3A_157 = arith.constant 0 : i32
    %dma_wait3A_158 = tpu.memref_slice %arg9[%dma_wait3A_156, %dma_wait3A_157] : memref<4x128xi32, #tpu.memory_space<vmem>> -> memref<1x128xi32, #tpu.memory_space<vmem>>
    %dma_wait3A_159 = tpu.memref_squeeze %dma_wait3A_158 : memref<1x128xi32, #tpu.memory_space<vmem>> -> memref<128xi32, #tpu.memory_space<vmem>>
    %dma_wait3A_160 = arith.constant 0 : i32
    %dma_wait3A_161 = arith.constant 0 : i32
    %dma_wait3A_162 = tpu.memref_slice %arg3[%dma_wait3A_160, %dma_wait3A_161] : memref<100000x128xf32, #tpu.memory_space<hbm>> -> memref<100000x128xf32, #tpu.memory_space<hbm>>
    tpu.wait_indirect_dma semaphore(%arg14 : memref<!tpu.dma_semaphore, #tpu.memory_space<semaphore_mem>>) src(%dma_wait3A_162 : memref<100000x128xf32, #tpu.memory_space<hbm>>) dst(%arg12 : memref<128x128xf32, #tpu.memory_space<vmem>>)
    %dma_start3A_163 = arith.constant 0 : i32
    %dma_start3A_164 = tpu.memref_slice %arg7[%add3A_17, %dma_start3A_163] : memref<16384x128xf32, #tpu.memory_space<hbm>> -> memref<128x128xf32, #tpu.memory_space<hbm>>
    %dma_start3A_165 = arith.constant 0 : i32
    %dma_start3A_166 = tpu.memref_slice %arg7[%add3A_17, %dma_start3A_165] : memref<16384x128xf32, #tpu.memory_space<hbm>> -> memref<128x128xf32, #tpu.memory_space<hbm>>
    tpu.enqueue_dma source(%arg12 : memref<128x128xf32, #tpu.memory_space<vmem>>) target(%dma_start3A_166 : memref<128x128xf32, #tpu.memory_space<hbm>>) target_semaphore(%arg15 : memref<!tpu.dma_semaphore, #tpu.memory_space<semaphore_mem>>)
    %dma_wait3A_167 = arith.constant 3 : i32
    %dma_wait3A_168 = arith.constant 0 : i32
    %dma_wait3A_169 = tpu.memref_slice %arg9[%dma_wait3A_167, %dma_wait3A_168] : memref<4x128xi32, #tpu.memory_space<vmem>> -> memref<1x128xi32, #tpu.memory_space<vmem>>
    %dma_wait3A_170 = tpu.memref_squeeze %dma_wait3A_169 : memref<1x128xi32, #tpu.memory_space<vmem>> -> memref<128xi32, #tpu.memory_space<vmem>>
    %dma_wait3A_171 = arith.constant 0 : i32
    %dma_wait3A_172 = arith.constant 0 : i32
    %dma_wait3A_173 = tpu.memref_slice %arg3[%dma_wait3A_171, %dma_wait3A_172] : memref<100000x128xf32, #tpu.memory_space<hbm>> -> memref<100000x128xf32, #tpu.memory_space<hbm>>
    tpu.wait_indirect_dma semaphore(%arg14 : memref<!tpu.dma_semaphore, #tpu.memory_space<semaphore_mem>>) src(%dma_wait3A_173 : memref<100000x128xf32, #tpu.memory_space<hbm>>) dst(%arg13 : memref<128x128xf32, #tpu.memory_space<vmem>>)
    %dma_start3A_174 = arith.constant 0 : i32
    %dma_start3A_175 = tpu.memref_slice %arg7[%add3A_19, %dma_start3A_174] : memref<16384x128xf32, #tpu.memory_space<hbm>> -> memref<128x128xf32, #tpu.memory_space<hbm>>
    %dma_start3A_176 = arith.constant 0 : i32
    %dma_start3A_177 = tpu.memref_slice %arg7[%add3A_19, %dma_start3A_176] : memref<16384x128xf32, #tpu.memory_space<hbm>> -> memref<128x128xf32, #tpu.memory_space<hbm>>
    tpu.enqueue_dma source(%arg13 : memref<128x128xf32, #tpu.memory_space<vmem>>) target(%dma_start3A_177 : memref<128x128xf32, #tpu.memory_space<hbm>>) target_semaphore(%arg15 : memref<!tpu.dma_semaphore, #tpu.memory_space<semaphore_mem>>)
    %dma_wait3A_178 = arith.constant 0 : i32
    %dma_wait3A_179 = tpu.memref_slice %arg7[%add3A_13, %dma_wait3A_178] : memref<16384x128xf32, #tpu.memory_space<hbm>> -> memref<128x128xf32, #tpu.memory_space<hbm>>
    %dma_wait3A_180 = arith.constant 0 : i32
    %dma_wait3A_181 = tpu.memref_slice %arg7[%add3A_13, %dma_wait3A_180] : memref<16384x128xf32, #tpu.memory_space<hbm>> -> memref<128x128xf32, #tpu.memory_space<hbm>>
    tpu.wait_dma2 semaphore(%arg15 : memref<!tpu.dma_semaphore, #tpu.memory_space<semaphore_mem>>) src(%arg10 : memref<128x128xf32, #tpu.memory_space<vmem>>) dst(%dma_wait3A_181 : memref<128x128xf32, #tpu.memory_space<hbm>>)
    %dma_wait3A_182 = arith.constant 0 : i32
    %dma_wait3A_183 = tpu.memref_slice %arg7[%add3A_15, %dma_wait3A_182] : memref<16384x128xf32, #tpu.memory_space<hbm>> -> memref<128x128xf32, #tpu.memory_space<hbm>>
    %dma_wait3A_184 = arith.constant 0 : i32
    %dma_wait3A_185 = tpu.memref_slice %arg7[%add3A_15, %dma_wait3A_184] : memref<16384x128xf32, #tpu.memory_space<hbm>> -> memref<128x128xf32, #tpu.memory_space<hbm>>
    tpu.wait_dma2 semaphore(%arg15 : memref<!tpu.dma_semaphore, #tpu.memory_space<semaphore_mem>>) src(%arg11 : memref<128x128xf32, #tpu.memory_space<vmem>>) dst(%dma_wait3A_185 : memref<128x128xf32, #tpu.memory_space<hbm>>)
    %dma_wait3A_186 = arith.constant 0 : i32
    %dma_wait3A_187 = tpu.memref_slice %arg7[%add3A_17, %dma_wait3A_186] : memref<16384x128xf32, #tpu.memory_space<hbm>> -> memref<128x128xf32, #tpu.memory_space<hbm>>
    %dma_wait3A_188 = arith.constant 0 : i32
    %dma_wait3A_189 = tpu.memref_slice %arg7[%add3A_17, %dma_wait3A_188] : memref<16384x128xf32, #tpu.memory_space<hbm>> -> memref<128x128xf32, #tpu.memory_space<hbm>>
    tpu.wait_dma2 semaphore(%arg15 : memref<!tpu.dma_semaphore, #tpu.memory_space<semaphore_mem>>) src(%arg12 : memref<128x128xf32, #tpu.memory_space<vmem>>) dst(%dma_wait3A_189 : memref<128x128xf32, #tpu.memory_space<hbm>>)
    %dma_wait3A_190 = arith.constant 0 : i32
    %dma_wait3A_191 = tpu.memref_slice %arg7[%add3A_19, %dma_wait3A_190] : memref<16384x128xf32, #tpu.memory_space<hbm>> -> memref<128x128xf32, #tpu.memory_space<hbm>>
    %dma_wait3A_192 = arith.constant 0 : i32
    %dma_wait3A_193 = tpu.memref_slice %arg7[%add3A_19, %dma_wait3A_192] : memref<16384x128xf32, #tpu.memory_space<hbm>> -> memref<128x128xf32, #tpu.memory_space<hbm>>
    tpu.wait_dma2 semaphore(%arg15 : memref<!tpu.dma_semaphore, #tpu.memory_space<semaphore_mem>>) src(%arg13 : memref<128x128xf32, #tpu.memory_space<vmem>>) dst(%dma_wait3A_193 : memref<128x128xf32, #tpu.memory_space<hbm>>)
    return
  }
}

module attributes {stable_mosaic.version = 14 : i64} {
  func.func @_mlp_body(%arg0: i32, %arg1: memref<4096x128xf32, #tpu.memory_space<vmem>>, %arg2: memref<4096x128xf32, #tpu.memory_space<vmem>>, %arg3: memref<128x128xf32, #tpu.memory_space<vmem>>, %arg4: memref<128x128xf32, #tpu.memory_space<vmem>>, %arg5: memref<1x128xf32, #tpu.memory_space<vmem>>, %arg6: memref<128x64xf32, #tpu.memory_space<vmem>>, %arg7: memref<1x64xf32, #tpu.memory_space<vmem>>, %arg8: memref<64x1xf32, #tpu.memory_space<vmem>>, %arg9: memref<1x1xf32, #tpu.memory_space<vmem>>, %arg10: memref<1x1x4096xf32, #tpu.memory_space<vmem>>) attributes {dimension_semantics = [#tpu.dimension_semantics<arbitrary>], iteration_bounds = array<i64: 4>, scalar_prefetch = 0 : i64, scratch_operands = 0 : i64, tpu.core_type = #tpu.core_type<tc>, window_params = [{transform_indices = @transform_0, window_bounds = array<i64: 4096, 128>}, {transform_indices = @transform_1, window_bounds = array<i64: 4096, 128>}, {pipeline_mode = #tpu.pipeline_mode<synchronous>, transform_indices = @transform_2, window_bounds = array<i64: 128, 128>}, {pipeline_mode = #tpu.pipeline_mode<synchronous>, transform_indices = @transform_3, window_bounds = array<i64: 128, 128>}, {pipeline_mode = #tpu.pipeline_mode<synchronous>, transform_indices = @transform_4, window_bounds = array<i64: 1, 128>}, {pipeline_mode = #tpu.pipeline_mode<synchronous>, transform_indices = @transform_5, window_bounds = array<i64: 128, 64>}, {pipeline_mode = #tpu.pipeline_mode<synchronous>, transform_indices = @transform_6, window_bounds = array<i64: 1, 64>}, {pipeline_mode = #tpu.pipeline_mode<synchronous>, transform_indices = @transform_7, window_bounds = array<i64: 64, 1>}, {pipeline_mode = #tpu.pipeline_mode<synchronous>, transform_indices = @transform_8, window_bounds = array<i64: 1, 1>}, {transform_indices = @transform_9, window_bounds = array<i64: 1, 1, 4096>}]} {
    %get3A = arith.constant 0 : index
    %get3A_0 = arith.constant 0 : index
    %get3A_1 = vector.load %arg1[%get3A, %get3A_0] : memref<4096x128xf32, #tpu.memory_space<vmem>>, vector<4096x128xf32>
    %get3A_2 = arith.constant 0 : index
    %get3A_3 = arith.constant 0 : index
    %get3A_4 = vector.load %arg3[%get3A_2, %get3A_3] : memref<128x128xf32, #tpu.memory_space<vmem>>, vector<128x128xf32>
    %dot_general3A = arith.constant dense<0.000000e+00> : vector<4096x128xf32>
    %dot_general3A_5 = tpu.matmul %get3A_1, %get3A_4, %dot_general3A {dimension_numbers = #tpu.dot_dimension_numbers<[1], [0], [0], [1], [0, 0, 1, 1], [], []>, transpose_lhs_hint = false} : vector<4096x128xf32>, vector<128x128xf32>, vector<4096x128xf32> -> vector<4096x128xf32>
    %get3A_6 = arith.constant 0 : index
    %get3A_7 = arith.constant 0 : index
    %get3A_8 = vector.load %arg2[%get3A_6, %get3A_7] : memref<4096x128xf32, #tpu.memory_space<vmem>>, vector<4096x128xf32>
    %get3A_9 = arith.constant 0 : index
    %get3A_10 = arith.constant 0 : index
    %get3A_11 = vector.load %arg4[%get3A_9, %get3A_10] : memref<128x128xf32, #tpu.memory_space<vmem>>, vector<128x128xf32>
    %dot_general3A_12 = arith.constant dense<0.000000e+00> : vector<4096x128xf32>
    %dot_general3A_13 = tpu.matmul %get3A_8, %get3A_11, %dot_general3A_12 {dimension_numbers = #tpu.dot_dimension_numbers<[1], [0], [0], [1], [0, 0, 1, 1], [], []>, transpose_lhs_hint = false} : vector<4096x128xf32>, vector<128x128xf32>, vector<4096x128xf32> -> vector<4096x128xf32>
    %add3A = arith.addf %dot_general3A_5, %dot_general3A_13 : vector<4096x128xf32>
    %get3A_14 = arith.constant 0 : index
    %get3A_15 = arith.constant 0 : index
    %get3A_16 = vector.load %arg5[%get3A_14, %get3A_15] : memref<1x128xf32, #tpu.memory_space<vmem>>, vector<1x128xf32>
    %add3A_17 = vector.broadcast %get3A_16 : vector<1x128xf32> to vector<4096x128xf32>
    %add3A_18 = arith.addf %add3A, %add3A_17 : vector<4096x128xf32>
    %max3A = arith.constant 0.000000e+00 : f32
    %max3A_19 = vector.broadcast %max3A : f32 to vector<4096x128xf32>
    %max3A_20 = arith.maximumf %add3A_18, %max3A_19 : vector<4096x128xf32>
    %get3A_21 = arith.constant 0 : index
    %get3A_22 = arith.constant 0 : index
    %get3A_23 = vector.load %arg6[%get3A_21, %get3A_22] : memref<128x64xf32, #tpu.memory_space<vmem>>, vector<128x64xf32>
    %dot_general3A_24 = arith.constant dense<0.000000e+00> : vector<4096x64xf32>
    %dot_general3A_25 = tpu.matmul %max3A_20, %get3A_23, %dot_general3A_24 {dimension_numbers = #tpu.dot_dimension_numbers<[1], [0], [0], [1], [0, 0, 1, 1], [], []>, transpose_lhs_hint = false} : vector<4096x128xf32>, vector<128x64xf32>, vector<4096x64xf32> -> vector<4096x64xf32>
    %get3A_26 = arith.constant 0 : index
    %get3A_27 = arith.constant 0 : index
    %get3A_28 = vector.load %arg7[%get3A_26, %get3A_27] : memref<1x64xf32, #tpu.memory_space<vmem>>, vector<1x64xf32>
    %add3A_29 = vector.broadcast %get3A_28 : vector<1x64xf32> to vector<4096x64xf32>
    %add3A_30 = arith.addf %dot_general3A_25, %add3A_29 : vector<4096x64xf32>
    %max3A_31 = arith.constant 0.000000e+00 : f32
    %max3A_32 = vector.broadcast %max3A_31 : f32 to vector<4096x64xf32>
    %max3A_33 = arith.maximumf %add3A_30, %max3A_32 : vector<4096x64xf32>
    %get3A_34 = arith.constant 0 : index
    %get3A_35 = arith.constant 0 : index
    %get3A_36 = vector.load %arg8[%get3A_34, %get3A_35] : memref<64x1xf32, #tpu.memory_space<vmem>>, vector<64x1xf32>
    %dot_general3A_37 = arith.constant dense<0.000000e+00> : vector<4096x1xf32>
    %dot_general3A_38 = tpu.matmul %max3A_33, %get3A_36, %dot_general3A_37 {dimension_numbers = #tpu.dot_dimension_numbers<[1], [0], [0], [1], [0, 0, 1, 1], [], []>, transpose_lhs_hint = false} : vector<4096x64xf32>, vector<64x1xf32>, vector<4096x1xf32> -> vector<4096x1xf32>
    %get3A_39 = arith.constant 0 : index
    %get3A_40 = arith.constant 0 : index
    %get3A_41 = vector.load %arg9[%get3A_39, %get3A_40] : memref<1x1xf32, #tpu.memory_space<vmem>>, vector<1x1xf32>
    %get3A_42 = vector.extract %get3A_41[0, 0] : f32 from vector<1x1xf32>
    %add3A_43 = vector.broadcast %get3A_42 : f32 to vector<4096x1xf32>
    %add3A_44 = arith.addf %dot_general3A_38, %add3A_43 : vector<4096x1xf32>
    %neg3A = arith.constant 0.000000e+00 : f32
    %neg3A_45 = vector.broadcast %neg3A : f32 to vector<4096x1xf32>
    %neg3A_46 = arith.subf %neg3A_45, %add3A_44 : vector<4096x1xf32>
    %exp3A = math.exp %neg3A_46 : vector<4096x1xf32>
    %add3A_47 = arith.constant 1.000000e+00 : f32
    %add3A_48 = vector.broadcast %add3A_47 : f32 to vector<4096x1xf32>
    %add3A_49 = arith.addf %add3A_48, %exp3A : vector<4096x1xf32>
    %div3A = arith.constant 1.000000e+00 : f32
    %div3A_50 = vector.broadcast %div3A : f32 to vector<4096x1xf32>
    %div3A_51 = arith.divf %div3A_50, %add3A_49 : vector<4096x1xf32>
    %transpose3A = tpu.transpose %div3A_51, [1, 0] : vector<4096x1xf32> -> vector<1x4096xf32>
    %swap3A = arith.constant 0 : index
    %swap3A_52 = arith.constant 0 : index
    %swap3A_53 = arith.constant 0 : index
    %swap3A_54 = vector.load %arg10[%swap3A, %swap3A_52, %swap3A_53] : memref<1x1x4096xf32, #tpu.memory_space<vmem>>, vector<1x1x4096xf32>
    %swap3A_55 = vector.shape_cast %swap3A_54 : vector<1x1x4096xf32> to vector<1x4096xf32>
    %swap3A_56 = vector.shape_cast %transpose3A : vector<1x4096xf32> to vector<1x1x4096xf32>
    tpu.vector_store %arg10[%swap3A, %swap3A_52, %swap3A_53], %swap3A_56 {strides = array<i32>} : memref<1x1x4096xf32, #tpu.memory_space<vmem>>, vector<1x1x4096xf32>,
    return
  }
  func.func @transform_0(%arg0: i32) -> (i32, i32) {
    %c0_i32 = arith.constant 0 : i32
    %c0_i32_0 = arith.constant 0 : i32
    return %arg0, %c0_i32 : i32, i32
  }
  func.func @transform_1(%arg0: i32) -> (i32, i32) {
    %c0_i32 = arith.constant 0 : i32
    %c0_i32_0 = arith.constant 0 : i32
    return %arg0, %c0_i32 : i32, i32
  }
  func.func @transform_2(%arg0: i32) -> (i32, i32) {
    %c0_i32 = arith.constant 0 : i32
    %c0_i32_0 = arith.constant 0 : i32
    %c0_i32_1 = arith.constant 0 : i32
    return %c0_i32, %c0_i32_0 : i32, i32
  }
  func.func @transform_3(%arg0: i32) -> (i32, i32) {
    %c0_i32 = arith.constant 0 : i32
    %c0_i32_0 = arith.constant 0 : i32
    %c0_i32_1 = arith.constant 0 : i32
    return %c0_i32, %c0_i32_0 : i32, i32
  }
  func.func @transform_4(%arg0: i32) -> (i32, i32) {
    %c0_i32 = arith.constant 0 : i32
    %c0_i32_0 = arith.constant 0 : i32
    %c0_i32_1 = arith.constant 0 : i32
    return %c0_i32, %c0_i32_0 : i32, i32
  }
  func.func @transform_5(%arg0: i32) -> (i32, i32) {
    %c0_i32 = arith.constant 0 : i32
    %c0_i32_0 = arith.constant 0 : i32
    %c0_i32_1 = arith.constant 0 : i32
    return %c0_i32, %c0_i32_0 : i32, i32
  }
  func.func @transform_6(%arg0: i32) -> (i32, i32) {
    %c0_i32 = arith.constant 0 : i32
    %c0_i32_0 = arith.constant 0 : i32
    %c0_i32_1 = arith.constant 0 : i32
    return %c0_i32, %c0_i32_0 : i32, i32
  }
  func.func @transform_7(%arg0: i32) -> (i32, i32) {
    %c0_i32 = arith.constant 0 : i32
    %c0_i32_0 = arith.constant 0 : i32
    %c0_i32_1 = arith.constant 0 : i32
    return %c0_i32, %c0_i32_0 : i32, i32
  }
  func.func @transform_8(%arg0: i32) -> (i32, i32) {
    %c0_i32 = arith.constant 0 : i32
    %c0_i32_0 = arith.constant 0 : i32
    %c0_i32_1 = arith.constant 0 : i32
    return %c0_i32, %c0_i32_0 : i32, i32
  }
  func.func @transform_9(%arg0: i32) -> (i32, i32, i32) {
    %c0_i32 = arith.constant 0 : i32
    %c0_i32_0 = arith.constant 0 : i32
    %c0_i32_1 = arith.constant 0 : i32
    return %arg0, %c0_i32, %c0_i32_0 : i32, i32, i32
  }
}

</mosaic_0001>

<sc_bundles>
// kernel: kernel.4.cloned.1.call-start
scs
__scs_entry_jumppad:
0x0: {  	(pc) =	sbr.rel $0x88, $3  }
0x1: {  	(tag) =	ssettag $0x0;
	lr =	simm.s32 $0x1  }
0x2: {  	[smem:$0x3F97] =	sst lr;
	_ =	strace $0xD0000000  }
0x3: {  	_ = 	snop  }
0x4: {  	_ = 	snop  }
0x5: {  	_ = 	snop  }
0x6: {  	_ = 	snop  }
0x7: {  	_ = 	snop  }
__scs_overlays_trampoline_lowered:
0x8: {  	[smem:$0x3FA6] =	sst s0  }
0x9: {  	[smem:$0x3FA7] =	sst s1  }
0xa: {  	[smem:$0x3FA8] =	sst s2  }
0xb: {  	[smem:$0x3FA9] =	sst s3  }
0xc: {  	[smem:$0x3FAA] =	sst s4  }
0xd: {  	[smem:$0x3FAB] =	sst s5  }
0xe: {  	[smem:$0x3FAC] =	sst s6  }
0xf: {  	[smem:$0x3FAD] =	sst s7  }
0x10: {  	[smem:$0x3FAE] =	sst s8  }
0x11: {  	[smem:$0x3FAF] =	sst s9;
	s0 =	simm.s32 @!p0 $0x0  }
0x12: {  	s1 =	sld [smem:$0x3F95];
	s0 =	simm.s32 @p0 $0x1  }
0x13: {  	[smem:$0x3FB0] =	sst s0;
	s0 =	simm.s32 @!p1 $0x0  }
0x14: {  	s2 =	sld [smem:$0x3F94];
	s0 =	simm.s32 @p1 $0x1  }
0x15: {  	[smem:$0x3FB1] =	sst s0;
	s0 =	simm.s32 @!p2 $0x0  }
0x16: {  	s3 =	sld [smem:$0x3FDB];
	s0 =	simm.s32 @p2 $0x1  }
0x17: {  	s4 =	simm.s32 $0x1BF5;
	[smem:$0x3FB3] =	sst s0  }
0x18: {  	s0 =	sld [smem:$0x3F96];
	_ =	swait.ge [sflag:s4], $0x0  }
0x19: {  	s7 =	sld [smem:$0x3F97]  }
0x1a: {  	s8 =	sadd.s32 $0xFFFFE003, lr  }
0x1b: {  	s9 =	sadd.s32 $0xFFFFFEF7, lr;
	s5 =	simm.s32 $0xFFFFFFFF;
	p2 =	slt.u32 s8, $0xFFFFF086  }
0x1c: {  	p1 =	slt.u32 s9, $0xF7A;
	s5 =	simm.s32 @!p2 $0x0  }
0x1d: {  	s5 =	simm.s32 @p1 $0x1;
	p0 =	seq.s32 s7, s2  }
0x1e: {  	s7 =	smul.u32 @!p0 $0xF7A, s2;
	p2 =	seq.s32 @!p0 s5, $0x0  }
0x1f: {  	s9 =	smul.u32 $0xF7A, s1;
	s8 =	simm.s32 @!p0 $0x1BF5;
	p2 =	por !p2, p0  }
0x20: {  	[sflag:s8] =	ssyncset.s32 @!p0 $0xFFFFF086;
	s6 =	sadd.s32 @!p0 s3, s7;
	s7 =	simm.s32 @!p0 $0x108  }
0x21: {  	s3 =	sadd.s32 s3, s9;
	s6 =	sadd.s32 @!p0 $0x88, s6;
	s7 =	simm.s32 @p2 $0x1082  }
0x22: {  	[simem:s7], [sflag:s8] =	dma.local @!p0 [hbm:s6], $0xF7A  }
0x23: {  	s9 =	sor.u32 $0xD0000000, s2;
	s6 =	simm.s32 $0x108;
	_ =	swait.ge @!p0 [sflag:s8], $0x0  }
0x24: {  	s3 =	sadd.s32 $0x88, s3;
	s6 =	simm.s32 @!p1 $0x1082;
	[sflag:s4] =	ssyncset.s32 $0xFFFFF086  }
0x25: {  	[simem:s6], [sflag:s4] =	dma.local [hbm:s3], $0xF7A  }
0x26: {  	[smem:$0x3F97] =	sst s1;
	(tag) =	ssettag s2;
	_ =	strace s9  }
0x27: {  	s1 =	sld [smem:$0x3FA7]  }
0x28: {  	s2 =	sld [smem:$0x3FA8]  }
0x29: {  	s4 =	sld [smem:$0x3FAA]  }
0x2a: {  	p0 =	seq.s32 s5, $0x0;
	s5 =	sld [smem:$0x3FAB]  }
0x2b: {  	s6 =	sld [smem:$0x3FAC]  }
0x2c: {  	s7 =	sld [smem:$0x3FAD]  }
0x2d: {  	s3 =	simm.s32 $0x108;
	s8 =	sld [smem:$0x3FAE]  }
0x2e: {  	s3 =	simm.s32 @!p0 $0x1082;
	s9 =	sld [smem:$0x3FAF]  }
0x2f: {  	lr =	sadd.s32 s0, s3;
	s0 =	sld [smem:$0x3FA6]  }
0x30: {  	s3 =	sld [smem:$0x3FA9]  }
0x31: {  	[smem:$0x3FB2] =	sst s10  }
0x32: {  	s10 =	sld [smem:$0x3FB0];
	_ =	sdelay $0x3  }
0x33: {  	p0 =	seq.s32 s10, $0x1;
	s10 =	sld [smem:$0x3FB2];
	_ =	sdelay $0x3  }
0x34: {  	[smem:$0x3FB2] =	sst s10  }
0x35: {  	s10 =	sld [smem:$0x3FB1];
	_ =	sdelay $0x3  }
0x36: {  	p1 =	seq.s32 s10, $0x1;
	s10 =	sld [smem:$0x3FB2];
	_ =	sdelay $0x3  }
0x37: {  	[smem:$0x3FB2] =	sst s10  }
0x38: {  	s10 =	sld [smem:$0x3FB3]  }
0x39: {  	_ = 	snop;
	(pc) =	sbr.ind lr, $3  }
0x3a: {  	_ = 	snop  }
0x3b: {  	_ = 	snop  }
0x3c: {  	p2 =	seq.s32 s10, $0x1;
	s10 =	sld [smem:$0x3FB2]  }
0x3d: {  	_ =	shalt  }
0x3e: {  	_ =	shalt  }
0x3f: {  	_ =	shalt  }
0x40: {  	_ =	shalt  }
0x41: {  	_ =	shalt  }
0x42: {  	_ =	shalt  }
0x43: {  	_ =	shalt  }
0x44: {  	_ =	shalt  }
0x45: {  	_ =	shalt  }
0x46: {  	_ =	shalt  }
0x47: {  	_ =	shalt  }
0x48: {  	_ =	shalt  }
0x49: {  	_ =	shalt  }
0x4a: {  	_ =	shalt  }
0x4b: {  	_ =	shalt  }
0x4c: {  	_ =	shalt  }
0x4d: {  	_ =	shalt  }
0x4e: {  	_ =	shalt  }
0x4f: {  	_ =	shalt  }
0x50: {  	_ =	shalt  }
0x51: {  	_ =	shalt  }
0x52: {  	_ =	shalt  }
0x53: {  	_ =	shalt  }
0x54: {  	_ =	shalt  }
0x55: {  	_ =	shalt  }
0x56: {  	_ =	shalt  }
0x57: {  	_ =	shalt  }
0x58: {  	_ =	shalt  }
0x59: {  	_ =	shalt  }
0x5a: {  	_ =	shalt  }
0x5b: {  	_ =	shalt  }
0x5c: {  	_ =	shalt  }
0x5d: {  	_ =	shalt  }
0x5e: {  	_ =	shalt  }
0x5f: {  	_ =	shalt  }
0x60: {  	_ =	shalt  }
0x61: {  	_ =	shalt  }
0x62: {  	_ =	shalt  }
0x63: {  	_ =	shalt  }
0x64: {  	_ =	shalt  }
0x65: {  	_ =	shalt  }
0x66: {  	_ =	shalt  }
0x67: {  	_ =	shalt  }
0x68: {  	_ =	shalt  }
0x69: {  	_ =	shalt  }
0x6a: {  	_ =	shalt  }
0x6b: {  	_ =	shalt  }
0x6c: {  	_ =	shalt  }
0x6d: {  	_ =	shalt  }
0x6e: {  	_ =	shalt  }
0x6f: {  	_ =	shalt  }
0x70: {  	_ =	shalt  }
0x71: {  	_ =	shalt  }
0x72: {  	_ =	shalt  }
0x73: {  	_ =	shalt  }
0x74: {  	_ =	shalt  }
0x75: {  	_ =	shalt  }
0x76: {  	_ =	shalt  }
0x77: {  	_ =	shalt  }
0x78: {  	_ =	shalt  }
0x79: {  	_ =	shalt  }
0x7a: {  	_ =	shalt  }
0x7b: {  	_ =	shalt  }
0x7c: {  	_ =	shalt  }
0x7d: {  	_ =	shalt  }
0x7e: {  	_ =	shalt  }
0x7f: {  	_ =	shalt  }
0x80: {  	_ =	shalt  }
0x81: {  	_ =	shalt  }
0x82: {  	_ =	shalt  }
0x83: {  	_ =	shalt  }
0x84: {  	_ =	shalt  }
0x85: {  	_ =	shalt  }
0x86: {  	_ =	shalt  }
0x87: {  	_ =	shalt  }
.Lfunc_end0:
.L_simem_size_0:
called_computation_lowered:
.L_overlay_start_0:
0x88: {  	s2 =	sld [smem:$0x3FD9]  }
0x89: {  	s3 =	sld [smem:$0x3FFE];
	_ =	sdelay $0x1  }
0x8a: {  	s1 =	srdreg.scid  }
0x8b: {  	s0 =	sand.u32 $0x1, s1  }
0x8c: {  	s17 =	sshll.u32 s0, $0xA;
	s2 =	sadd.s32 s3, s2  }
0x8d: {  	s2 =	sadd.s32 s2, s17  }
0x8e: {  	[smem:$0x3FBE] =	sst s2  }
0x8f: {  	_ = 	snop  }
0x90: {  	s2 =	sld [smem:$0x3FC9]  }
0x91: {  	s18 =	sld [smem:$0x3FC8]  }
0x92: {  	s4 =	sld [smem:$0x3FC7]  }
0x93: {  	s5 =	sld [smem:$0x3FC6];
	(tm) =	ssettm $0x1  }
0x94: {  	s6 =	sld [smem:$0x3FFB];
	_ =	sdelay $0x3  }
0x95: {  	_ =	strace s6  }
0x96: {  	s6 =	sld [smem:$0x3FFC];
	_ =	sdelay $0x3  }
0x97: {  	_ =	strace s6  }
0x98: {  	s6 =	sld [smem:$0x3FFD];
	_ =	sdelay $0x3  }
0x99: {  	_ =	strace s6  }
0x9a: {  	_ =	strace $0x8FFFFFFF  }
0x9b: {  	s19 =	sld [smem:$0x3FDB];
	_ =	sdelay $0x1  }
0x9c: {  	s7 =	simm.s32 $_scs_section_size  }
0x9d: {  	s8 =	simm.s32 $_size__tile_overlayer_lowered;
	s9 =	simm.s32 $_tile_overlayer_lowered  }
0x9e: {  	s22 =	simm.s32 $0x1BFF;
	s21 =	sshll.u32 s9, $0x1;
	s6 =	sadd.s32 s7, s19  }
0x9f: {  	s10 =	simm.s32 $0x0;
	s20 =	sshll.u32 s8, $0x1;
	s8 =	sadd.s32 s21, s6  }
0xa0: {  	[timem:s10], [sflag:s22] =	dma.local [hbm:s8], s20  }
0xa1: {  	_ =	swait.ge [sflag:s22], s20  }
0xa2: {  	s7 =	ssub.s32 $0x0, s20;
	[sflag:s22] =	ssyncset.done $0x0  }
0xa3: {  	[sflag:s22] =	ssyncadd.s32 s7;
	_ =	sdelay $0x1  }
0xa4: {  	s23 =	simm.s32 $0x1B8B  }
0xa5: {  	_ =	swait.ge [sflag:s23], $0x1  }
0xa6: {  	[sflag:s23] =	ssyncset.done $0x0  }
0xa7: {  	s25 =	simm.s32 $0x1B8E;
	s24 =	sld [smem:$0x3FFE];
	[sflag:s23] =	ssyncadd.s32 $0xFFFFFFFF  }
0xa8: {  	s26 =	simm.s32 $execute0_lowered;
	[smem:$0x3FD2] =	sst s25  }
0xa9: {  	s8 =	sshll.u32 s26, $0x1;
	_ =	strace $0x80000046;
	[dreg:$0x1] =	wrdreg $0xFFFFFFFF  }
0xaa: {  	s28 =	simm.s32 $_size_execute0_lowered;
	s6 =	sadd.s32 s6, s8;
	[dreg:$0x0] =	wrdreg $0x0  }
0xab: {  	s8 =	sshll.u32 s28, $0x1;
	[dreg:$0x2] =	wrdreg s6  }
0xac: {  	[dreg:$0x3] =	wrdreg s8  }
0xad: {  	[dreg:$0x4] =	wrdreg $0xC0  }
0xae: {  	_ =	task [dreg:s10], $0x5FFFF  }
0xaf: {  	[dreg:$0x1] =	wrdreg $0xFFFFFFFF  }
0xb0: {  	[dreg:$0x0] =	wrdreg $0x60  }
0xb1: {  	[dreg:$0x2] =	wrdreg s4  }
0xb2: {  	[dreg:$0x3] =	wrdreg s5  }
0xb3: {  	[dreg:$0x4] =	wrdreg s2  }
0xb4: {  	[dreg:$0x5] =	wrdreg s18  }
0xb5: {  	[dreg:$0x6] =	wrdreg s24  }
0xb6: {  	[dreg:$0x7] =	wrdreg $0x9  }
0xb7: {  	_ =	task.clear_ibuf [dreg:s10], $0x8FFFF;
	_ =	strace $0x90000046  }
0xb8: {  	s29 =	simm.s32 $0x9;
	_ =	strace $0x80000048  }
0xb9: {  	_ =	swait.ge [sflag:s29], $0x1  }
0xba: {  	[sflag:s29] =	ssyncadd.s32 $0xFFFFFFFF  }
0xbb: {  	_ =	strace $0x90000048  }
0xbc: {  	_ =	sfence  }
0xbd: {  	s30 =	sld [smem:$0x0];
	_ =	sdelay $0x2  }
0xbe: {  	s31 =	sshll.u32 s1, $0xD;
	s1 =	sshrl.u32 s1, $0x2  }
0xbf: {  	s3 =	sand.u32 $0x4000, s31;
	s1 =	sadd.s32 s1, s30  }
0xc0: {  	s0 =	sor.u32 s3, s0;
	s1 =	sshll.u32 s1, $0x11  }
0xc1: {  	s0 =	sor.u32 s1, s0  }
0xc2: {  	s0 =	sadd.s32 $0x8F2B, s0  }
0xc3: {  	[sflag:s0] =	ssyncadd.remote.s32 $0x1  }
0xc4: {  	_ =	sfence.sel $0xFFFF  }
0xc5: {  	[dreg:$0x0] =	wrdreg $0xFFFFFFFF;
	(pc) =	sbr.abs _section_cstart, $3  }
0xc6: {  	[dreg:$0x1] =	wrdreg $0xFFFFFFFF  }
0xc7: {  	_ =	task.clear_ibuf [dreg:s10], $0x2FFFF;
	_ =	strace $0x9FFFFFFF  }
0xc8: {  	(tm) =	ssettm $0x7FFFFFFF  }
0xc9: {  	_ =	shalt  }
tec
execute0_lowered:
.L_overlay_start_1:
0x0: {  	(tag) =	ssettag $0x1  }
0x1: {  	s1 =	rddreg [dreg:$0x0]  }
0x2: {  	s2 =	rddreg [dreg:$0x1];
	s3 =	srdreg.scid  }
0x3: {  	s5 =	rddreg [dreg:$0x2];
	s0 =	stileid.u32;
	s30 =	sand.u32 $0x1, s3  }
0x4: {  	s7 =	rddreg [dreg:$0x3];
	s6 =	sshll.u32 s0, $0xA;
	s8 =	sshll.u32 s30, $0x9  }
0x5: {  	s25 =	rddreg [dreg:$0x4];
	s4 =	simm.s32 $0x0;
	s17 =	sor.u32 s8, s6  }
0x6: {  	[smem:$0x7FF] =	sst s4;
	s8 =	sshrl.u32 s17, $0x3  }
0x7: {  	_ =	strace $0x80000047;
	s6 =	simm.s32 $0x3;
	s5 =	sadd.s32 s5, s8  }
0x8: {  	[tilespmem:s4], [sflag:$0x3] =	stream.linear.gather [hbm4b:s5+s4], $0x200, $0x38;
	[tilespmem:$0x10400] =	vst v63  }
0x9: {  	_ =	swait.ge [sflag:s6], $0x200  }
0xa: {  	[sflag:s6] =	ssyncset.done $0x0  }
0xb: {  	s7 =	sadd.s32 s7, s8;
	s8 =	simm.s32 $0x200;
	[sflag:s6] =	ssyncadd.s32 $0xFFFFFE00  }
0xc: {  	[tilespmem:s8], [sflag:$0x3] =	stream.linear.gather [hbm4b:s7+s4], $0x200, $0x38;
	[tilespmem:$0x10400] =	vst v63  }
0xd: {  	_ =	swait.ge [sflag:s6], $0x200  }
0xe: {  	[sflag:s6] =	ssyncset.done $0x0  }
0xf: {  	s9 =	simm.s32 $0x80;
	s10 =	simm.s32 $0x400;
	[sflag:s6] =	ssyncadd.s32 $0xFFFFFE00  }
0x10: {  	[tilespmem:s10], [sflag:$0x1] =	stream.indirect.gather [hbm4b:s1+s9], $0x80, s4, s9, $0xb8;
	[tilespmem:$0x10400] =	vst v63  }
0x11: {  	s11 =	simm.s32 $0x4400  }
0x12: {  	[tilespmem:s11], [sflag:$0x1] =	stream.indirect.gather [hbm4b:s1+s9], $0x80, s9, s9, $0xb8;
	[tilespmem:$0x10400] =	vst v63  }
0x13: {  	s12 =	simm.s32 $0x100;
	s13 =	simm.s32 $0x8400  }
0x14: {  	[tilespmem:s13], [sflag:$0x1] =	stream.indirect.gather [hbm4b:s1+s9], $0x80, s12, s9, $0xb8;
	[tilespmem:$0x10400] =	vst v63  }
0x15: {  	s14 =	simm.s32 $0x180;
	s15 =	simm.s32 $0xC400;
	s16 =	simm.s32 $0x1  }
0x16: {  	[tilespmem:s15], [sflag:$0x1] =	stream.indirect.gather [hbm4b:s1+s9], $0x80, s14, s9, $0xb8;
	[tilespmem:$0x10400] =	vst v63  }
0x17: {  	_ =	swait.ge [sflag:s16], $0x4000  }
0x18: {  	s23 =	sadd.s32 $0x1800, s25;
	s26 =	sshll.u32 s17, $0x4;
	[sflag:s16] =	ssyncset.done $0x0  }
0x19: {  	s17 =	simm.s32 $0x2;
	s18 =	sadd.s32 s23, s26;
	[sflag:s16] =	ssyncadd.s32 $0xFFFFC000  }
0x1a: {  	[hbm4b:s18+s4] =	stream.linear.scatter [tilespmem:s10], [sflag:$0x2], $0x4000, $0x38;
	[tilespmem:$0x10400] =	vst v63  }
0x1b: {  	_ =	swait.ge [sflag:s17], $0x4000  }
0x1c: {  	[sflag:s17] =	ssyncset.done $0x0  }
0x1d: {  	[sflag:s17] =	ssyncadd.s32 $0xFFFFC000  }
0x1e: {  	[tilespmem:s10], [sflag:$0x1] =	stream.indirect.gather [hbm4b:s2+s9], $0x80, s8, s9, $0xb8;
	[tilespmem:$0x10400] =	vst v63  }
0x1f: {  	_ =	swait.ge [sflag:s16], $0x4000  }
0x20: {  	s28 =	sor.u32 $0x800, s26;
	[sflag:s16] =	ssyncset.done $0x0  }
0x21: {  	s19 =	sadd.s32 s23, s28;
	[sflag:s16] =	ssyncadd.s32 $0xFFFFC000  }
0x22: {  	[hbm4b:s19+s4] =	stream.linear.scatter [tilespmem:s11], [sflag:$0x2], $0x4000, $0x38;
	[tilespmem:$0x10400] =	vst v63  }
0x23: {  	_ =	swait.ge [sflag:s17], $0x4000  }
0x24: {  	[sflag:s17] =	ssyncset.done $0x0  }
0x25: {  	s20 =	simm.s32 $0x280;
	[sflag:s17] =	ssyncadd.s32 $0xFFFFC000  }
0x26: {  	[tilespmem:s11], [sflag:$0x1] =	stream.indirect.gather [hbm4b:s2+s9], $0x80, s20, s9, $0xb8;
	[tilespmem:$0x10400] =	vst v63  }
0x27: {  	_ =	swait.ge [sflag:s16], $0x4000  }
0x28: {  	s29 =	sor.u32 $0x1000, s26;
	[sflag:s16] =	ssyncset.done $0x0  }
0x29: {  	s21 =	sadd.s32 s23, s29;
	[sflag:s16] =	ssyncadd.s32 $0xFFFFC000  }
0x2a: {  	[hbm4b:s21+s4] =	stream.linear.scatter [tilespmem:s13], [sflag:$0x2], $0x4000, $0x38;
	[tilespmem:$0x10400] =	vst v63  }
0x2b: {  	_ =	swait.ge [sflag:s17], $0x4000  }
0x2c: {  	[sflag:s17] =	ssyncset.done $0x0  }
0x2d: {  	s22 =	simm.s32 $0x300;
	[sflag:s17] =	ssyncadd.s32 $0xFFFFC000  }
0x2e: {  	[tilespmem:s13], [sflag:$0x1] =	stream.indirect.gather [hbm4b:s2+s9], $0x80, s22, s9, $0xb8;
	[tilespmem:$0x10400] =	vst v63  }
0x2f: {  	_ =	swait.ge [sflag:s16], $0x4000  }
0x30: {  	s31 =	sor.u32 $0x1800, s26;
	[sflag:s16] =	ssyncset.done $0x0  }
0x31: {  	s23 =	sadd.s32 s23, s31;
	[sflag:s16] =	ssyncadd.s32 $0xFFFFC000  }
0x32: {  	[hbm4b:s23+s4] =	stream.linear.scatter [tilespmem:s15], [sflag:$0x2], $0x4000, $0x38;
	[tilespmem:$0x10400] =	vst v63  }
0x33: {  	_ =	swait.ge [sflag:s17], $0x4000  }
0x34: {  	[sflag:s17] =	ssyncset.done $0x0  }
0x35: {  	s24 =	simm.s32 $0x380;
	[sflag:s17] =	ssyncadd.s32 $0xFFFFC000  }
0x36: {  	[tilespmem:s15], [sflag:$0x1] =	stream.indirect.gather [hbm4b:s2+s9], $0x80, s24, s9, $0xb8;
	[tilespmem:$0x10400] =	vst v63  }
0x37: {  	_ =	swait.ge [sflag:s16], $0x4000  }
0x38: {  	s3 =	sadd.s32 $0x41800, s25;
	[sflag:s16] =	ssyncset.done $0x0  }
0x39: {  	s25 =	sadd.s32 s3, s26;
	[sflag:s16] =	ssyncadd.s32 $0xFFFFC000  }
0x3a: {  	[hbm4b:s25+s4] =	stream.linear.scatter [tilespmem:s10], [sflag:$0x2], $0x4000, $0x38;
	[tilespmem:$0x10400] =	vst v63  }
0x3b: {  	_ =	swait.ge [sflag:s16], $0x4000  }
0x3c: {  	[sflag:s16] =	ssyncset.done $0x0  }
0x3d: {  	s26 =	sadd.s32 s3, s28;
	[sflag:s16] =	ssyncadd.s32 $0xFFFFC000  }
0x3e: {  	[hbm4b:s26+s4] =	stream.linear.scatter [tilespmem:s11], [sflag:$0x2], $0x4000, $0x38;
	[tilespmem:$0x10400] =	vst v63  }
0x3f: {  	_ =	swait.ge [sflag:s16], $0x4000  }
0x40: {  	[sflag:s16] =	ssyncset.done $0x0  }
0x41: {  	s28 =	sadd.s32 s3, s29;
	[sflag:s16] =	ssyncadd.s32 $0xFFFFC000  }
0x42: {  	[hbm4b:s28+s4] =	stream.linear.scatter [tilespmem:s13], [sflag:$0x2], $0x4000, $0x38;
	[tilespmem:$0x10400] =	vst v63  }
0x43: {  	_ =	swait.ge [sflag:s16], $0x4000  }
0x44: {  	[sflag:s16] =	ssyncset.done $0x0  }
0x45: {  	s29 =	sadd.s32 s3, s31;
	[sflag:s16] =	ssyncadd.s32 $0xFFFFC000  }
0x46: {  	[hbm4b:s29+s4] =	stream.linear.scatter [tilespmem:s15], [sflag:$0x2], $0x4000, $0x38;
	[tilespmem:$0x10400] =	vst v63  }
0x47: {  	_ =	swait.ge [sflag:s17], $0x4000  }
0x48: {  	s31 =	ssub.s32 $0x2, s30;
	[sflag:s17] =	ssyncset.done $0x0  }
0x49: {  	s30 =	sshrl.u32 s31, $0x1;
	[sflag:s17] =	ssyncadd.s32 $0xFFFFC000  }
0x4a: {  	s3 =	ssub.s32 s31, s30;
	_ =	swait.ge [sflag:s17], $0x4000  }
0x4b: {  	s3 =	smax.u32 s3, $0x1;
	[sflag:s17] =	ssyncset.done $0x0  }
0x4c: {  	p0 =	sne.s32 s3, $0x1;
	[sflag:s17] =	ssyncadd.s32 $0xFFFFC000  }
.Ltmp0:
0x4d: {  	_ =	swait.ge [sflag:s17], $0x4000;
	(pc) =	sbr.rel @!p0 .LBB2_2-.Ltmp0, $4  }
0x4e: {  	[sflag:s17] =	ssyncset.done $0x0  }
0x4f: {  	[sflag:s17] =	ssyncadd.s32 $0xFFFFC000  }
0x50: {  	_ =	swait.ge [sflag:s17], $0x4000  }
0x51: {  	s30 =	sadd.s32 $0xFFFFFFFF, s3;
	[sflag:s17] =	ssyncset.done $0x0  }
.LBB2_1:
0x52: {  	p0 =	sne.s32 s30, $0x1;
	s30 =	sadd.s32 $0xFFFFFFFF, s30;
	[sflag:s17] =	ssyncadd.s32 $0xFFFFC000  }
0x53: {  	[tilespmem:s4], [sflag:$0x3] =	stream.linear.gather [hbm4b:s5+s4], $0x200, $0x38;
	[tilespmem:$0x10400] =	vst v63  }
0x54: {  	_ =	swait.ge [sflag:s6], $0x200  }
0x55: {  	[sflag:s6] =	ssyncset.done $0x0  }
0x56: {  	[sflag:s6] =	ssyncadd.s32 $0xFFFFFE00  }
0x57: {  	[tilespmem:s8], [sflag:$0x3] =	stream.linear.gather [hbm4b:s7+s4], $0x200, $0x38;
	[tilespmem:$0x10400] =	vst v63  }
0x58: {  	_ =	swait.ge [sflag:s6], $0x200  }
0x59: {  	[sflag:s6] =	ssyncset.done $0x0  }
0x5a: {  	[sflag:s6] =	ssyncadd.s32 $0xFFFFFE00  }
0x5b: {  	[tilespmem:s10], [sflag:$0x1] =	stream.indirect.gather [hbm4b:s1+s9], $0x80, s4, s9, $0xb8;
	[tilespmem:$0x10400] =	vst v63  }
0x5c: {  	_ = 	snop  }
0x5d: {  	[tilespmem:s11], [sflag:$0x1] =	stream.indirect.gather [hbm4b:s1+s9], $0x80, s9, s9, $0xb8;
	[tilespmem:$0x10400] =	vst v63  }
0x5e: {  	_ = 	snop  }
0x5f: {  	[tilespmem:s13], [sflag:$0x1] =	stream.indirect.gather [hbm4b:s1+s9], $0x80, s12, s9, $0xb8;
	[tilespmem:$0x10400] =	vst v63  }
0x60: {  	_ = 	snop  }
0x61: {  	[tilespmem:s15], [sflag:$0x1] =	stream.indirect.gather [hbm4b:s1+s9], $0x80, s14, s9, $0xb8;
	[tilespmem:$0x10400] =	vst v63  }
0x62: {  	_ =	swait.ge [sflag:s16], $0x4000  }
0x63: {  	[sflag:s16] =	ssyncset.done $0x0  }
0x64: {  	[sflag:s16] =	ssyncadd.s32 $0xFFFFC000  }
0x65: {  	[hbm4b:s18+s4] =	stream.linear.scatter [tilespmem:s10], [sflag:$0x2], $0x4000, $0x38;
	[tilespmem:$0x10400] =	vst v63  }
0x66: {  	_ =	swait.ge [sflag:s17], $0x4000  }
0x67: {  	[sflag:s17] =	ssyncset.done $0x0  }
0x68: {  	[sflag:s17] =	ssyncadd.s32 $0xFFFFC000  }
0x69: {  	[tilespmem:s10], [sflag:$0x1] =	stream.indirect.gather [hbm4b:s2+s9], $0x80, s8, s9, $0xb8;
	[tilespmem:$0x10400] =	vst v63  }
0x6a: {  	_ =	swait.ge [sflag:s16], $0x4000  }
0x6b: {  	[sflag:s16] =	ssyncset.done $0x0  }
0x6c: {  	[sflag:s16] =	ssyncadd.s32 $0xFFFFC000  }
0x6d: {  	[hbm4b:s19+s4] =	stream.linear.scatter [tilespmem:s11], [sflag:$0x2], $0x4000, $0x38;
	[tilespmem:$0x10400] =	vst v63  }
0x6e: {  	_ =	swait.ge [sflag:s17], $0x4000  }
0x6f: {  	[sflag:s17] =	ssyncset.done $0x0  }
0x70: {  	[sflag:s17] =	ssyncadd.s32 $0xFFFFC000  }
0x71: {  	[tilespmem:s11], [sflag:$0x1] =	stream.indirect.gather [hbm4b:s2+s9], $0x80, s20, s9, $0xb8;
	[tilespmem:$0x10400] =	vst v63  }
0x72: {  	_ =	swait.ge [sflag:s16], $0x4000  }
0x73: {  	[sflag:s16] =	ssyncset.done $0x0  }
0x74: {  	[sflag:s16] =	ssyncadd.s32 $0xFFFFC000  }
0x75: {  	[hbm4b:s21+s4] =	stream.linear.scatter [tilespmem:s13], [sflag:$0x2], $0x4000, $0x38;
	[tilespmem:$0x10400] =	vst v63  }
0x76: {  	_ =	swait.ge [sflag:s17], $0x4000  }
0x77: {  	[sflag:s17] =	ssyncset.done $0x0  }
0x78: {  	[sflag:s17] =	ssyncadd.s32 $0xFFFFC000  }
0x79: {  	[tilespmem:s13], [sflag:$0x1] =	stream.indirect.gather [hbm4b:s2+s9], $0x80, s22, s9, $0xb8;
	[tilespmem:$0x10400] =	vst v63  }
0x7a: {  	_ =	swait.ge [sflag:s16], $0x4000  }
0x7b: {  	[sflag:s16] =	ssyncset.done $0x0  }
0x7c: {  	[sflag:s16] =	ssyncadd.s32 $0xFFFFC000  }
0x7d: {  	[hbm4b:s23+s4] =	stream.linear.scatter [tilespmem:s15], [sflag:$0x2], $0x4000, $0x38;
	[tilespmem:$0x10400] =	vst v63  }
0x7e: {  	_ =	swait.ge [sflag:s17], $0x4000  }
0x7f: {  	[sflag:s17] =	ssyncset.done $0x0  }
0x80: {  	[sflag:s17] =	ssyncadd.s32 $0xFFFFC000  }
0x81: {  	[tilespmem:s15], [sflag:$0x1] =	stream.indirect.gather [hbm4b:s2+s9], $0x80, s24, s9, $0xb8;
	[tilespmem:$0x10400] =	vst v63  }
0x82: {  	_ =	swait.ge [sflag:s16], $0x4000  }
0x83: {  	[sflag:s16] =	ssyncset.done $0x0  }
0x84: {  	[sflag:s16] =	ssyncadd.s32 $0xFFFFC000  }
0x85: {  	[hbm4b:s25+s4] =	stream.linear.scatter [tilespmem:s10], [sflag:$0x2], $0x4000, $0x38;
	[tilespmem:$0x10400] =	vst v63  }
0x86: {  	_ =	swait.ge [sflag:s16], $0x4000  }
0x87: {  	[sflag:s16] =	ssyncset.done $0x0  }
0x88: {  	[sflag:s16] =	ssyncadd.s32 $0xFFFFC000  }
0x89: {  	[hbm4b:s26+s4] =	stream.linear.scatter [tilespmem:s11], [sflag:$0x2], $0x4000, $0x38;
	[tilespmem:$0x10400] =	vst v63  }
0x8a: {  	_ =	swait.ge [sflag:s16], $0x4000  }
0x8b: {  	[sflag:s16] =	ssyncset.done $0x0  }
0x8c: {  	[sflag:s16] =	ssyncadd.s32 $0xFFFFC000  }
0x8d: {  	[hbm4b:s28+s4] =	stream.linear.scatter [tilespmem:s13], [sflag:$0x2], $0x4000, $0x38;
	[tilespmem:$0x10400] =	vst v63  }
0x8e: {  	_ =	swait.ge [sflag:s16], $0x4000  }
0x8f: {  	[sflag:s16] =	ssyncset.done $0x0  }
0x90: {  	[sflag:s16] =	ssyncadd.s32 $0xFFFFC000  }
0x91: {  	[hbm4b:s29+s4] =	stream.linear.scatter [tilespmem:s15], [sflag:$0x2], $0x4000, $0x38;
	[tilespmem:$0x10400] =	vst v63  }
0x92: {  	_ =	swait.ge [sflag:s17], $0x4000  }
0x93: {  	[sflag:s17] =	ssyncset.done $0x0  }
0x94: {  	[sflag:s17] =	ssyncadd.s32 $0xFFFFC000  }
0x95: {  	_ =	swait.ge [sflag:s17], $0x4000  }
0x96: {  	[sflag:s17] =	ssyncset.done $0x0  }
0x97: {  	[sflag:s17] =	ssyncadd.s32 $0xFFFFC000  }
.Ltmp1:
0x98: {  	_ =	swait.ge [sflag:s17], $0x4000;
	(pc) =	sbr.rel @p0 .LBB2_1-.Ltmp1, $4  }
0x99: {  	[sflag:s17] =	ssyncset.done $0x0  }
0x9a: {  	[sflag:s17] =	ssyncadd.s32 $0xFFFFC000  }
0x9b: {  	_ =	swait.ge [sflag:s17], $0x4000  }
0x9c: {  	[sflag:s17] =	ssyncset.done $0x0  }
.LBB2_2:
0x9d: {  	[sflag:s17] =	ssyncadd.s32 $0xFFFFC000  }
0x9e: {  	_ =	sfence.sel $0x180000  }
0x9f: {  	[bflag:$0x0] =	sbarrier.arrive $0xFFFF  }
0xa0: {  	_ =	strace $0x90000047  }
0xa1: {  	[bflag:$0x2] =	sbarrier.arrive $0xFFFF  }
0xa2: {  	p0 =	sne.s32 s0, $0x0;
	s0 =	rddreg [dreg:$0x5]  }
0xa3: {  	s0 =	sadd.s32 @!p0 $0x100000, s0  }
0xa4: {  	[sflag:s0] =	ssyncadd.tile.s32 @!p0 $0x1;
	_ =	shalt  }
.Lfunc_end2:
_tile_overlayer_lowered:
.L_overlay_start_2:
0xa5: {  	(tag) =	ssettag $0x2  }
0xa6: {  	s0 =	rddreg [dreg:$0x0];
	s2 =	stileid.u32  }
0xa7: {  	s1 =	rddreg [dreg:$0x1];
	p0 =	sne.s32 s2, $0x0  }
0xa8: {  	s3 =	rddreg [dreg:$0x2];
	[bflag:$0x3] =	sbarrier.arrive $0xFFFF;
	s2 =	simm.s32 @!p0 $0x1C03  }
0xa9: {  	[timem:s3], [sflag:s2] =	dma.local @!p0 [hbm:s0], s1  }
0xaa: {  	s0 =	simm.s32 @!p0 $0x3  }
0xab: {  	_ =	swait.ge @!p0 [sflag:s0], s1  }
0xac: {  	s1 =	ssub.s32 @!p0 $0x0, s1;
	[sflag:s0] =	ssyncset.done @!p0 $0x0  }
0xad: {  	[sflag:s0] =	ssyncadd.s32 @!p0 s1  }
0xae: {  	[bflag:$0x3] =	sbarrier.arrive $0xFFFF  }
0xaf: {  	_ =	shalt  }

</sc_bundles>
